<compile_context>
chip_gen: v7x
topology: tpu7x:2x2x1
jax: 0.10.2.dev20260603
libtpu: 0.0.44.dev20260713+nightly
codegen_flags: <defaults>
</compile_context>

<pallas_src>
import functools

import jax
import jax.numpy as jnp
from jax import lax
from jax.experimental import pallas as pl
from jax.experimental.pallas import tpu as pltpu
from jax.experimental.pallas import tpu_sc as plsc

BATCH = 4096
FIELDS = 26
DIM = 64
NTAB = 100000
NC = 2
NS = 16
NW = NC * NS
DPW = DIM // NW
NVEC = BATCH // 16
IR = 2
OR = 4
UNROLL = 4
NMAIN = (FIELDS // UNROLL) * UNROLL
NFULL = (FIELDS // 8) * 8

_mesh = plsc.VectorSubcoreMesh(core_axis_name="c", subcore_axis_name="s")


@functools.partial(
    pl.kernel,
    mesh=_mesh,
    out_type=jax.ShapeDtypeStruct((FIELDS, DIM, BATCH), jnp.float32),
    scratch_types=(
        [pltpu.VMEM((NTAB,), jnp.float32)]
        + [pltpu.VMEM((BATCH,), jnp.int32) for _ in range(IR)]
        + [pltpu.VMEM((BATCH,), jnp.float32) for _ in range(OR)]
        + [pltpu.SemaphoreType.DMA for _ in range(IR + OR + 1)]
        + [pltpu.VMEM_SHARED(((FIELDS // 8) * 8, BATCH), jnp.int32)]
    ),
    compiler_params=pltpu.CompilerParams(
        use_tc_tiling_on_sc=True, needs_layout_passes=False),
)
def _gather_kernel(idx_hbm, tab_hbm, out_hbm, row_v, *scr):
    ibufs = scr[:IR]
    obufs = scr[IR:IR + OR]
    isems = scr[IR + OR:2 * IR + OR]
    osems = scr[2 * IR + OR:2 * IR + 2 * OR]
    ssem = scr[2 * IR + 2 * OR]
    idx_sp = scr[2 * IR + 2 * OR + 1]
    sid = lax.axis_index("s")
    wid = sid * NC + lax.axis_index("c")

    def fire_idx(f, b):
        @pl.when(f < NFULL)
        def _():
            pltpu.async_copy(idx_sp.at[f], ibufs[b], isems[b])

        @pl.when(f >= NFULL)
        def _():
            pltpu.async_copy(idx_hbm.at[f], ibufs[b], isems[b])

    def wait_idx(f, b):
        pltpu.make_async_copy(idx_hbm.at[0], ibufs[b], isems[b]).wait()

    def fire_out(f, d, b):
        pltpu.async_copy(obufs[b], out_hbm.at[f, d], osems[b])

    def wait_out(f, d, b):
        pltpu.make_async_copy(obufs[b], out_hbm.at[f, d], osems[b]).wait()

    def gather(bi, bo):
        @plsc.parallel_loop(0, NVEC, unroll=8)
        def _(i):
            ids = ibufs[bi][pl.ds(i * 16, 16)]
            obufs[bo][pl.ds(i * 16, 16)] = plsc.load_gather(row_v, [ids])

    def d_body(dd, carry):
        d = dd * NW + wid

        @pl.when(jnp.logical_and(dd == 0, sid == 0))
        def _():
            pltpu.async_copy(idx_hbm.at[pl.ds(0, NFULL)], idx_sp, ssem)

        pltpu.sync_copy(tab_hbm.at[d], row_v)

        @pl.when(dd == 0)
        def _():
            @pl.when(sid == 0)
            def _():
                pltpu.make_async_copy(
                    idx_hbm.at[pl.ds(0, NFULL)], idx_sp, ssem).wait()
            plsc.subcore_barrier()

        for p in range(IR - 1):
            fire_idx(p, p)

        def step(f, m):
            wait_idx(f, m % IR)

            @pl.when(f + IR - 1 < FIELDS)
            def _():
                fire_idx(f + IR - 1, (m + IR - 1) % IR)

            @pl.when(f >= OR)
            def _():
                wait_out(f - OR, d, m % OR)

            gather(m % IR, m % OR)
            fire_out(f, d, m % OR)

        def jbody(j, carry2):
            for m in range(UNROLL):
                step(j * UNROLL + m, m)
            return carry2

        lax.fori_loop(0, NMAIN // UNROLL, jbody, 0)
        for m in range(NMAIN, FIELDS):
            step(m, m)
        for f in range(FIELDS - OR, FIELDS):
            wait_out(f, d, f % OR)
        return carry

    lax.fori_loop(0, DPW, d_body, 0)


def kernel(input, embeddings):
    out_t = _gather_kernel(input.T, embeddings.T)
    return jnp.transpose(out_t, (2, 0, 1))

# --- scband reference (transcript-rebuilt; emitter-appended) ---
"""Pipeline reference for scband-my-embedding-layer-4483945857151 (READ-ONLY COPY).

The authoritative reference and input builder live on the scoring server;
editing this copy changes nothing except your own understanding.
"""

import jax, jax.numpy as jnp
import numpy as np

NUM_EMBEDDINGS = 100000
EMBEDDING_DIM = 64
BATCH = 4096
FIELDS = 26

def setup_inputs(seed: int = 0) -> dict:
    key = jax.random.key(seed)
    k_idx, k_emb = jax.random.split(key)
    input = jax.random.randint(k_idx, (BATCH, FIELDS), 0, NUM_EMBEDDINGS, dtype=jnp.int64 if jax.config.jax_enable_x64 else jnp.int32)
    embeddings = jax.random.normal(k_emb, (NUM_EMBEDDINGS, EMBEDDING_DIM), dtype=jnp.float32)
    return {"input": input, "embeddings": embeddings}

def reference(input, embeddings):
    # Faithful translation of: self.embeddings[input]
    return jnp.take(embeddings, input, axis=0)

if __name__ == "__main__":
    import jax
    _d = setup_inputs()
    print(jax.jit(kernel)(*tuple(_d.values())))

</pallas_src>

<mosaic_0001>
#map = affine_map<(d0, d1) -> (0, 0)>
#map1 = affine_map<(d0, d1) -> (0, 0, 0)>
module attributes {stable_mosaic.version = 14 : i64} {
  func.func @_gather_kernel(%arg0: i32, %arg1: i32, %arg2: memref<26x4096xi32, #tpu.memory_space<hbm>>, %arg3: memref<64x100000xf32, #tpu.memory_space<hbm>>, %arg4: memref<26x64x4096xf32, #tpu.memory_space<hbm>>, %arg5: memref<100000xf32, #tpu.memory_space<vmem>>, %arg6: memref<4096xi32, #tpu.memory_space<vmem>>, %arg7: memref<4096xi32, #tpu.memory_space<vmem>>, %arg8: memref<4096xf32, #tpu.memory_space<vmem>>, %arg9: memref<4096xf32, #tpu.memory_space<vmem>>, %arg10: memref<4096xf32, #tpu.memory_space<vmem>>, %arg11: memref<4096xf32, #tpu.memory_space<vmem>>, %arg12: memref<!tpu.dma_semaphore, #tpu.memory_space<semaphore_mem>>, %arg13: memref<!tpu.dma_semaphore, #tpu.memory_space<semaphore_mem>>, %arg14: memref<!tpu.dma_semaphore, #tpu.memory_space<semaphore_mem>>, %arg15: memref<!tpu.dma_semaphore, #tpu.memory_space<semaphore_mem>>, %arg16: memref<!tpu.dma_semaphore, #tpu.memory_space<semaphore_mem>>, %arg17: memref<!tpu.dma_semaphore, #tpu.memory_space<semaphore_mem>>, %arg18: memref<!tpu.dma_semaphore, #tpu.memory_space<semaphore_mem>>, %arg19: memref<24x4096xi32, #tpu.memory_space<vmem_shared>>) attributes {dimension_semantics = [#tpu.dimension_semantics<core_parallel>, #tpu.dimension_semantics<subcore_parallel>], iteration_bounds = array<i64: 2, 16>, scalar_prefetch = 0 : i64, scratch_operands = 15 : i64, tpu.core_type = #tpu.core_type<sc_vector_subcore>, window_params = [{transform_indices = #map}, {transform_indices = #map}, {transform_indices = #map1}]} {
    %mul3A = arith.constant 2 : i32
    %mul3A_0 = arith.muli %arg1, %mul3A : i32
    %add3A = arith.addi %mul3A_0, %arg0 : i32
    %scan3A = arith.constant 0 : i32
    %scan3A_1 = arith.constant 0 : i32
    %scan3A_2 = arith.constant 2 : i32
    %scan3A_3 = arith.addi %scan3A_1, %scan3A_2 : i32
    %scan3A_4 = arith.constant 1 : i32
    scf.for %scan3A_6 = %scan3A_1 to %scan3A_3 step %scan3A_4  : i32 {
      %mul3A_7 = arith.constant 32 : i32
      %mul3A_8 = arith.muli %scan3A_6, %mul3A_7 : i32
      %add3A_9 = arith.addi %mul3A_8, %add3A : i32
      %eq3A = arith.constant 0 : i32
      %eq3A_10 = arith.cmpi eq, %scan3A_6, %eq3A : i32
      %eq3A_11 = arith.constant 0 : i32
      %eq3A_12 = arith.cmpi eq, %arg1, %eq3A_11 : i32
      %and3A = arith.andi %eq3A_10, %eq3A_12 : i1
      %convert_element_type3A = arith.extui %and3A : i1 to i32
      %cond3A = arith.constant 0 : i32
      %cond3A_13 = arith.cmpi ne, %convert_element_type3A, %cond3A : i32
      scf.if %cond3A_13 {
        %dma_start3A_112 = arith.constant 0 : i32
        %dma_start3A_113 = arith.constant 0 : i32
        %dma_start3A_114 = tpu.memref_slice %arg2[%dma_start3A_112, %dma_start3A_113] : memref<26x4096xi32, #tpu.memory_space<hbm>> -> memref<24x4096xi32, #tpu.memory_space<hbm>>
        tpu.enqueue_dma source(%dma_start3A_114 : memref<24x4096xi32, #tpu.memory_space<hbm>>) target(%arg19 : memref<24x4096xi32, #tpu.memory_space<vmem_shared>>) target_semaphore(%arg18 : memref<!tpu.dma_semaphore, #tpu.memory_space<semaphore_mem>>)
      } else {
      }
      "tpu.region"() ({
        %run_scoped3A = tpu.sem_alloc : memref<!tpu.dma_semaphore, #tpu.memory_space<semaphore_mem>>
        %dma_start3A_112 = arith.constant 0 : i32
        %dma_start3A_113 = tpu.memref_slice %arg3[%add3A_9, %dma_start3A_112] : memref<64x100000xf32, #tpu.memory_space<hbm>> -> memref<1x100000xf32, #tpu.memory_space<hbm>>
        %dma_start3A_114 = tpu.memref_squeeze %dma_start3A_113 : memref<1x100000xf32, #tpu.memory_space<hbm>> -> memref<100000xf32, #tpu.memory_space<hbm>>
        %dma_start3A_115 = arith.constant 0 : i32
        %dma_start3A_116 = tpu.memref_slice %arg3[%add3A_9, %dma_start3A_115] : memref<64x100000xf32, #tpu.memory_space<hbm>> -> memref<1x100000xf32, #tpu.memory_space<hbm>>
        %dma_start3A_117 = tpu.memref_squeeze %dma_start3A_116 : memref<1x100000xf32, #tpu.memory_space<hbm>> -> memref<100000xf32, #tpu.memory_space<hbm>>
        tpu.enqueue_dma source(%dma_start3A_117 : memref<100000xf32, #tpu.memory_space<hbm>>) target(%arg5 : memref<100000xf32, #tpu.memory_space<vmem>>) target_semaphore(%run_scoped3A : memref<!tpu.dma_semaphore, #tpu.memory_space<semaphore_mem>>)
        %dma_wait3A_118 = arith.constant 0 : i32
        %dma_wait3A_119 = tpu.memref_slice %arg3[%add3A_9, %dma_wait3A_118] : memref<64x100000xf32, #tpu.memory_space<hbm>> -> memref<1x100000xf32, #tpu.memory_space<hbm>>
        %dma_wait3A_120 = tpu.memref_squeeze %dma_wait3A_119 : memref<1x100000xf32, #tpu.memory_space<hbm>> -> memref<100000xf32, #tpu.memory_space<hbm>>
        %dma_wait3A_121 = arith.constant 0 : i32
        %dma_wait3A_122 = tpu.memref_slice %arg3[%add3A_9, %dma_wait3A_121] : memref<64x100000xf32, #tpu.memory_space<hbm>> -> memref<1x100000xf32, #tpu.memory_space<hbm>>
        %dma_wait3A_123 = tpu.memref_squeeze %dma_wait3A_122 : memref<1x100000xf32, #tpu.memory_space<hbm>> -> memref<100000xf32, #tpu.memory_space<hbm>>
        tpu.wait_dma2 semaphore(%run_scoped3A : memref<!tpu.dma_semaphore, #tpu.memory_space<semaphore_mem>>) src(%dma_wait3A_123 : memref<100000xf32, #tpu.memory_space<hbm>>) dst(%arg5 : memref<100000xf32, #tpu.memory_space<vmem>>)
        tpu.yield
      }) : () -> ()
      %eq3A_14 = arith.constant 0 : i32
      %eq3A_15 = arith.cmpi eq, %scan3A_6, %eq3A_14 : i32
      %convert_element_type3A_16 = arith.extui %eq3A_15 : i1 to i32
      %cond3A_17 = arith.constant 0 : i32
      %cond3A_18 = arith.cmpi ne, %convert_element_type3A_16, %cond3A_17 : i32
      scf.if %cond3A_18 {
        %eq3A_112 = arith.constant 0 : i32
        %eq3A_113 = arith.cmpi eq, %arg1, %eq3A_112 : i32
        %convert_element_type3A_114 = arith.extui %eq3A_113 : i1 to i32
        %cond3A_115 = arith.constant 0 : i32
        %cond3A_116 = arith.cmpi ne, %convert_element_type3A_114, %cond3A_115 : i32
        scf.if %cond3A_116 {
          %dma_wait3A_117 = arith.constant 0 : i32
          %dma_wait3A_118 = arith.constant 0 : i32
          %dma_wait3A_119 = tpu.memref_slice %arg2[%dma_wait3A_117, %dma_wait3A_118] : memref<26x4096xi32, #tpu.memory_space<hbm>> -> memref<24x4096xi32, #tpu.memory_space<hbm>>
          tpu.wait_dma2 semaphore(%arg18 : memref<!tpu.dma_semaphore, #tpu.memory_space<semaphore_mem>>) src(%dma_wait3A_119 : memref<24x4096xi32, #tpu.memory_space<hbm>>) dst(%arg19 : memref<24x4096xi32, #tpu.memory_space<vmem_shared>>)
        } else {
        }
        %barrier3A = arith.constant 0 : index
        tpu.barrier barrier_id(%barrier3A)
      } else {
      }
      %dma_start3A = arith.constant 0 : i32
      %dma_start3A_19 = arith.constant 0 : i32
      %dma_start3A_20 = tpu.memref_slice %arg19[%dma_start3A, %dma_start3A_19] : memref<24x4096xi32, #tpu.memory_space<vmem_shared>> -> memref<1x4096xi32, #tpu.memory_space<vmem_shared>>
      %dma_start3A_21 = tpu.memref_squeeze %dma_start3A_20 : memref<1x4096xi32, #tpu.memory_space<vmem_shared>> -> memref<4096xi32, #tpu.memory_space<vmem_shared>>
      %dma_start3A_22 = arith.constant 0 : i32
      %dma_start3A_23 = tpu.memref_slice %arg19[%dma_start3A, %dma_start3A_22] : memref<24x4096xi32, #tpu.memory_space<vmem_shared>> -> memref<1x4096xi32, #tpu.memory_space<vmem_shared>>
      %dma_start3A_24 = tpu.memref_squeeze %dma_start3A_23 : memref<1x4096xi32, #tpu.memory_space<vmem_shared>> -> memref<4096xi32, #tpu.memory_space<vmem_shared>>
      tpu.enqueue_dma source(%dma_start3A_24 : memref<4096xi32, #tpu.memory_space<vmem_shared>>) target(%arg6 : memref<4096xi32, #tpu.memory_space<vmem>>) target_semaphore(%arg12 : memref<!tpu.dma_semaphore, #tpu.memory_space<semaphore_mem>>)
      %scan3A_25 = arith.constant 0 : i32
      %scan3A_26 = arith.constant 0 : i32
      %scan3A_27 = arith.constant 6 : i32
      %scan3A_28 = arith.addi %scan3A_26, %scan3A_27 : i32
      %scan3A_29 = arith.constant 1 : i32
      scf.for %scan3A_112 = %scan3A_26 to %scan3A_28 step %scan3A_29  : i32 {
        %mul3A_113 = arith.constant 4 : i32
        %mul3A_114 = arith.muli %scan3A_112, %mul3A_113 : i32
        %add3A_115 = arith.constant 0 : i32
        %add3A_116 = arith.addi %mul3A_114, %add3A_115 : i32
        %dma_wait3A_117 = arith.constant 0 : i32
        %dma_wait3A_118 = arith.constant 0 : i32
        %dma_wait3A_119 = tpu.memref_slice %arg2[%dma_wait3A_117, %dma_wait3A_118] : memref<26x4096xi32, #tpu.memory_space<hbm>> -> memref<1x4096xi32, #tpu.memory_space<hbm>>
        %dma_wait3A_120 = tpu.memref_squeeze %dma_wait3A_119 : memref<1x4096xi32, #tpu.memory_space<hbm>> -> memref<4096xi32, #tpu.memory_space<hbm>>
        %dma_wait3A_121 = arith.constant 0 : i32
        %dma_wait3A_122 = tpu.memref_slice %arg2[%dma_wait3A_117, %dma_wait3A_121] : memref<26x4096xi32, #tpu.memory_space<hbm>> -> memref<1x4096xi32, #tpu.memory_space<hbm>>
        %dma_wait3A_123 = tpu.memref_squeeze %dma_wait3A_122 : memref<1x4096xi32, #tpu.memory_space<hbm>> -> memref<4096xi32, #tpu.memory_space<hbm>>
        tpu.wait_dma2 semaphore(%arg12 : memref<!tpu.dma_semaphore, #tpu.memory_space<semaphore_mem>>) src(%dma_wait3A_123 : memref<4096xi32, #tpu.memory_space<hbm>>) dst(%arg6 : memref<4096xi32, #tpu.memory_space<vmem>>)
        %add3A_124 = arith.constant 2 : i32
        %add3A_125 = arith.addi %add3A_116, %add3A_124 : i32
        %sub3A = arith.constant 1 : i32
        %sub3A_126 = arith.subi %add3A_125, %sub3A : i32
        %lt3A = arith.constant 26 : i32
        %lt3A_127 = arith.cmpi slt, %sub3A_126, %lt3A : i32
        %convert_element_type3A_128 = arith.extui %lt3A_127 : i1 to i32
        %cond3A_129 = arith.constant 0 : i32
        %cond3A_130 = arith.cmpi ne, %convert_element_type3A_128, %cond3A_129 : i32
        scf.if %cond3A_130 {
          %add3A_246 = arith.constant 2 : i32
          %add3A_247 = arith.addi %add3A_116, %add3A_246 : i32
          %sub3A_248 = arith.constant 1 : i32
          %sub3A_249 = arith.subi %add3A_247, %sub3A_248 : i32
          %lt3A_250 = arith.constant 24 : i32
          %lt3A_251 = arith.cmpi slt, %sub3A_249, %lt3A_250 : i32
          %convert_element_type3A_252 = arith.extui %lt3A_251 : i1 to i32
          %cond3A_253 = arith.constant 0 : i32
          %cond3A_254 = arith.cmpi ne, %convert_element_type3A_252, %cond3A_253 : i32
          scf.if %cond3A_254 {
            %dma_start3A_260 = arith.constant 0 : i32
            %dma_start3A_261 = tpu.memref_slice %arg19[%sub3A_249, %dma_start3A_260] : memref<24x4096xi32, #tpu.memory_space<vmem_shared>> -> memref<1x4096xi32, #tpu.memory_space<vmem_shared>>
            %dma_start3A_262 = tpu.memref_squeeze %dma_start3A_261 : memref<1x4096xi32, #tpu.memory_space<vmem_shared>> -> memref<4096xi32, #tpu.memory_space<vmem_shared>>
            %dma_start3A_263 = arith.constant 0 : i32
            %dma_start3A_264 = tpu.memref_slice %arg19[%sub3A_249, %dma_start3A_263] : memref<24x4096xi32, #tpu.memory_space<vmem_shared>> -> memref<1x4096xi32, #tpu.memory_space<vmem_shared>>
            %dma_start3A_265 = tpu.memref_squeeze %dma_start3A_264 : memref<1x4096xi32, #tpu.memory_space<vmem_shared>> -> memref<4096xi32, #tpu.memory_space<vmem_shared>>
            tpu.enqueue_dma source(%dma_start3A_265 : memref<4096xi32, #tpu.memory_space<vmem_shared>>) target(%arg7 : memref<4096xi32, #tpu.memory_space<vmem>>) target_semaphore(%arg13 : memref<!tpu.dma_semaphore, #tpu.memory_space<semaphore_mem>>)
          } else {
          }
          %ge3A_255 = arith.constant 24 : i32
          %ge3A_256 = arith.cmpi sge, %sub3A_249, %ge3A_255 : i32
          %convert_element_type3A_257 = arith.extui %ge3A_256 : i1 to i32
          %cond3A_258 = arith.constant 0 : i32
          %cond3A_259 = arith.cmpi ne, %convert_element_type3A_257, %cond3A_258 : i32
          scf.if %cond3A_259 {
            %dma_start3A_260 = arith.constant 0 : i32
            %dma_start3A_261 = tpu.memref_slice %arg2[%sub3A_249, %dma_start3A_260] : memref<26x4096xi32, #tpu.memory_space<hbm>> -> memref<1x4096xi32, #tpu.memory_space<hbm>>
            %dma_start3A_262 = tpu.memref_squeeze %dma_start3A_261 : memref<1x4096xi32, #tpu.memory_space<hbm>> -> memref<4096xi32, #tpu.memory_space<hbm>>
            %dma_start3A_263 = arith.constant 0 : i32
            %dma_start3A_264 = tpu.memref_slice %arg2[%sub3A_249, %dma_start3A_263] : memref<26x4096xi32, #tpu.memory_space<hbm>> -> memref<1x4096xi32, #tpu.memory_space<hbm>>
            %dma_start3A_265 = tpu.memref_squeeze %dma_start3A_264 : memref<1x4096xi32, #tpu.memory_space<hbm>> -> memref<4096xi32, #tpu.memory_space<hbm>>
            tpu.enqueue_dma source(%dma_start3A_265 : memref<4096xi32, #tpu.memory_space<hbm>>) target(%arg7 : memref<4096xi32, #tpu.memory_space<vmem>>) target_semaphore(%arg13 : memref<!tpu.dma_semaphore, #tpu.memory_space<semaphore_mem>>)
          } else {
          }
        } else {
        }
        %ge3A = arith.constant 4 : i32
        %ge3A_131 = arith.cmpi sge, %add3A_116, %ge3A : i32
        %convert_element_type3A_132 = arith.extui %ge3A_131 : i1 to i32
        %cond3A_133 = arith.constant 0 : i32
        %cond3A_134 = arith.cmpi ne, %convert_element_type3A_132, %cond3A_133 : i32
        scf.if %cond3A_134 {
          %sub3A_246 = arith.constant 4 : i32
          %sub3A_247 = arith.subi %add3A_116, %sub3A_246 : i32
          %dma_wait3A_248 = arith.constant 0 : i32
          %dma_wait3A_249 = tpu.memref_slice %arg4[%sub3A_247, %add3A_9, %dma_wait3A_248] : memref<26x64x4096xf32, #tpu.memory_space<hbm>> -> memref<1x1x4096xf32, #tpu.memory_space<hbm>>
          %dma_wait3A_250 = tpu.memref_squeeze %dma_wait3A_249 : memref<1x1x4096xf32, #tpu.memory_space<hbm>> -> memref<4096xf32, #tpu.memory_space<hbm>>
          %dma_wait3A_251 = arith.constant 0 : i32
          %dma_wait3A_252 = tpu.memref_slice %arg4[%sub3A_247, %add3A_9, %dma_wait3A_251] : memref<26x64x4096xf32, #tpu.memory_space<hbm>> -> memref<1x1x4096xf32, #tpu.memory_space<hbm>>
          %dma_wait3A_253 = tpu.memref_squeeze %dma_wait3A_252 : memref<1x1x4096xf32, #tpu.memory_space<hbm>> -> memref<4096xf32, #tpu.memory_space<hbm>>
          tpu.wait_dma2 semaphore(%arg14 : memref<!tpu.dma_semaphore, #tpu.memory_space<semaphore_mem>>) src(%arg8 : memref<4096xf32, #tpu.memory_space<vmem>>) dst(%dma_wait3A_253 : memref<4096xf32, #tpu.memory_space<hbm>>)
        } else {
        }
        %parallel_loop3A_135 = arith.constant 0 : i32
        %parallel_loop3A_136 = arith.constant 256 : i32
        %parallel_loop3A_137 = arith.constant 1 : i32
        scf.for %parallel_loop3A_246 = %parallel_loop3A_135 to %parallel_loop3A_136 step %parallel_loop3A_137  : i32 {
          %parallel_loop3A_247 = arith.constant 16 : i32
          %parallel_loop3A_248 = arith.muli %parallel_loop3A_246, %parallel_loop3A_247 : i32
          %parallel_loop3A_249 = arith.index_cast %parallel_loop3A_248 : i32 to index
          %parallel_loop3A_250 = tpu.vector_load %arg6[%parallel_loop3A_249] {strides = array<i32>} : memref<4096xi32, #tpu.memory_space<vmem>>, vector<16xi32>,
          %parallel_loop3A_251 = tpu.vector_load_idx %arg5[%parallel_loop3A_250] : memref<100000xf32, #tpu.memory_space<vmem>>[vector<16xi32>], vector<16xf32>,
          %parallel_loop3A_252 = arith.constant 16 : i32
          %parallel_loop3A_253 = arith.muli %parallel_loop3A_246, %parallel_loop3A_252 : i32
          %parallel_loop3A_254 = arith.index_cast %parallel_loop3A_253 : i32 to index
          %parallel_loop3A_255 = tpu.vector_load %arg8[%parallel_loop3A_254] {strides = array<i32>} : memref<4096xf32, #tpu.memory_space<vmem>>, vector<16xf32>,
          tpu.vector_store %arg8[%parallel_loop3A_254], %parallel_loop3A_251 {strides = array<i32>} : memref<4096xf32, #tpu.memory_space<vmem>>, vector<16xf32>,
        } {sc.loop_unroll_factor = 8 : i64, sc.parallel_access}
        %dma_start3A_138 = arith.constant 0 : i32
        %dma_start3A_139 = tpu.memref_slice %arg4[%add3A_116, %add3A_9, %dma_start3A_138] : memref<26x64x4096xf32, #tpu.memory_space<hbm>> -> memref<1x1x4096xf32, #tpu.memory_space<hbm>>
        %dma_start3A_140 = tpu.memref_squeeze %dma_start3A_139 : memref<1x1x4096xf32, #tpu.memory_space<hbm>> -> memref<4096xf32, #tpu.memory_space<hbm>>
        %dma_start3A_141 = arith.constant 0 : i32
        %dma_start3A_142 = tpu.memref_slice %arg4[%add3A_116, %add3A_9, %dma_start3A_141] : memref<26x64x4096xf32, #tpu.memory_space<hbm>> -> memref<1x1x4096xf32, #tpu.memory_space<hbm>>
        %dma_start3A_143 = tpu.memref_squeeze %dma_start3A_142 : memref<1x1x4096xf32, #tpu.memory_space<hbm>> -> memref<4096xf32, #tpu.memory_space<hbm>>
        tpu.enqueue_dma source(%arg8 : memref<4096xf32, #tpu.memory_space<vmem>>) target(%dma_start3A_143 : memref<4096xf32, #tpu.memory_space<hbm>>) target_semaphore(%arg14 : memref<!tpu.dma_semaphore, #tpu.memory_space<semaphore_mem>>)
        %mul3A_144 = arith.constant 4 : i32
        %mul3A_145 = arith.muli %scan3A_112, %mul3A_144 : i32
        %add3A_146 = arith.constant 1 : i32
        %add3A_147 = arith.addi %mul3A_145, %add3A_146 : i32
        %dma_wait3A_148 = arith.constant 0 : i32
        %dma_wait3A_149 = arith.constant 0 : i32
        %dma_wait3A_150 = tpu.memref_slice %arg2[%dma_wait3A_148, %dma_wait3A_149] : memref<26x4096xi32, #tpu.memory_space<hbm>> -> memref<1x4096xi32, #tpu.memory_space<hbm>>
        %dma_wait3A_151 = tpu.memref_squeeze %dma_wait3A_150 : memref<1x4096xi32, #tpu.memory_space<hbm>> -> memref<4096xi32, #tpu.memory_space<hbm>>
        %dma_wait3A_152 = arith.constant 0 : i32
        %dma_wait3A_153 = tpu.memref_slice %arg2[%dma_wait3A_148, %dma_wait3A_152] : memref<26x4096xi32, #tpu.memory_space<hbm>> -> memref<1x4096xi32, #tpu.memory_space<hbm>>
        %dma_wait3A_154 = tpu.memref_squeeze %dma_wait3A_153 : memref<1x4096xi32, #tpu.memory_space<hbm>> -> memref<4096xi32, #tpu.memory_space<hbm>>
        tpu.wait_dma2 semaphore(%arg13 : memref<!tpu.dma_semaphore, #tpu.memory_space<semaphore_mem>>) src(%dma_wait3A_154 : memref<4096xi32, #tpu.memory_space<hbm>>) dst(%arg7 : memref<4096xi32, #tpu.memory_space<vmem>>)
        %add3A_155 = arith.constant 2 : i32
        %add3A_156 = arith.addi %add3A_147, %add3A_155 : i32
        %sub3A_157 = arith.constant 1 : i32
        %sub3A_158 = arith.subi %add3A_156, %sub3A_157 : i32
        %lt3A_159 = arith.constant 26 : i32
        %lt3A_160 = arith.cmpi slt, %sub3A_158, %lt3A_159 : i32
        %convert_element_type3A_161 = arith.extui %lt3A_160 : i1 to i32
        %cond3A_162 = arith.constant 0 : i32
        %cond3A_163 = arith.cmpi ne, %convert_element_type3A_161, %cond3A_162 : i32
        scf.if %cond3A_163 {
          %add3A_246 = arith.constant 2 : i32
          %add3A_247 = arith.addi %add3A_147, %add3A_246 : i32
          %sub3A_248 = arith.constant 1 : i32
          %sub3A_249 = arith.subi %add3A_247, %sub3A_248 : i32
          %lt3A_250 = arith.constant 24 : i32
          %lt3A_251 = arith.cmpi slt, %sub3A_249, %lt3A_250 : i32
          %convert_element_type3A_252 = arith.extui %lt3A_251 : i1 to i32
          %cond3A_253 = arith.constant 0 : i32
          %cond3A_254 = arith.cmpi ne, %convert_element_type3A_252, %cond3A_253 : i32
          scf.if %cond3A_254 {
            %dma_start3A_260 = arith.constant 0 : i32
            %dma_start3A_261 = tpu.memref_slice %arg19[%sub3A_249, %dma_start3A_260] : memref<24x4096xi32, #tpu.memory_space<vmem_shared>> -> memref<1x4096xi32, #tpu.memory_space<vmem_shared>>
            %dma_start3A_262 = tpu.memref_squeeze %dma_start3A_261 : memref<1x4096xi32, #tpu.memory_space<vmem_shared>> -> memref<4096xi32, #tpu.memory_space<vmem_shared>>
            %dma_start3A_263 = arith.constant 0 : i32
            %dma_start3A_264 = tpu.memref_slice %arg19[%sub3A_249, %dma_start3A_263] : memref<24x4096xi32, #tpu.memory_space<vmem_shared>> -> memref<1x4096xi32, #tpu.memory_space<vmem_shared>>
            %dma_start3A_265 = tpu.memref_squeeze %dma_start3A_264 : memref<1x4096xi32, #tpu.memory_space<vmem_shared>> -> memref<4096xi32, #tpu.memory_space<vmem_shared>>
            tpu.enqueue_dma source(%dma_start3A_265 : memref<4096xi32, #tpu.memory_space<vmem_shared>>) target(%arg6 : memref<4096xi32, #tpu.memory_space<vmem>>) target_semaphore(%arg12 : memref<!tpu.dma_semaphore, #tpu.memory_space<semaphore_mem>>)
          } else {
          }
          %ge3A_255 = arith.constant 24 : i32
          %ge3A_256 = arith.cmpi sge, %sub3A_249, %ge3A_255 : i32
          %convert_element_type3A_257 = arith.extui %ge3A_256 : i1 to i32
          %cond3A_258 = arith.constant 0 : i32
          %cond3A_259 = arith.cmpi ne, %convert_element_type3A_257, %cond3A_258 : i32
          scf.if %cond3A_259 {
            %dma_start3A_260 = arith.constant 0 : i32
            %dma_start3A_261 = tpu.memref_slice %arg2[%sub3A_249, %dma_start3A_260] : memref<26x4096xi32, #tpu.memory_space<hbm>> -> memref<1x4096xi32, #tpu.memory_space<hbm>>
            %dma_start3A_262 = tpu.memref_squeeze %dma_start3A_261 : memref<1x4096xi32, #tpu.memory_space<hbm>> -> memref<4096xi32, #tpu.memory_space<hbm>>
            %dma_start3A_263 = arith.constant 0 : i32
            %dma_start3A_264 = tpu.memref_slice %arg2[%sub3A_249, %dma_start3A_263] : memref<26x4096xi32, #tpu.memory_space<hbm>> -> memref<1x4096xi32, #tpu.memory_space<hbm>>
            %dma_start3A_265 = tpu.memref_squeeze %dma_start3A_264 : memref<1x4096xi32, #tpu.memory_space<hbm>> -> memref<4096xi32, #tpu.memory_space<hbm>>
            tpu.enqueue_dma source(%dma_start3A_265 : memref<4096xi32, #tpu.memory_space<hbm>>) target(%arg6 : memref<4096xi32, #tpu.memory_space<vmem>>) target_semaphore(%arg12 : memref<!tpu.dma_semaphore, #tpu.memory_space<semaphore_mem>>)
          } else {
          }
        } else {
        }
        %ge3A_164 = arith.constant 4 : i32
        %ge3A_165 = arith.cmpi sge, %add3A_147, %ge3A_164 : i32
        %convert_element_type3A_166 = arith.extui %ge3A_165 : i1 to i32
        %cond3A_167 = arith.constant 0 : i32
        %cond3A_168 = arith.cmpi ne, %convert_element_type3A_166, %cond3A_167 : i32
        scf.if %cond3A_168 {
          %sub3A_246 = arith.constant 4 : i32
          %sub3A_247 = arith.subi %add3A_147, %sub3A_246 : i32
          %dma_wait3A_248 = arith.constant 0 : i32
          %dma_wait3A_249 = tpu.memref_slice %arg4[%sub3A_247, %add3A_9, %dma_wait3A_248] : memref<26x64x4096xf32, #tpu.memory_space<hbm>> -> memref<1x1x4096xf32, #tpu.memory_space<hbm>>
          %dma_wait3A_250 = tpu.memref_squeeze %dma_wait3A_249 : memref<1x1x4096xf32, #tpu.memory_space<hbm>> -> memref<4096xf32, #tpu.memory_space<hbm>>
          %dma_wait3A_251 = arith.constant 0 : i32
          %dma_wait3A_252 = tpu.memref_slice %arg4[%sub3A_247, %add3A_9, %dma_wait3A_251] : memref<26x64x4096xf32, #tpu.memory_space<hbm>> -> memref<1x1x4096xf32, #tpu.memory_space<hbm>>
          %dma_wait3A_253 = tpu.memref_squeeze %dma_wait3A_252 : memref<1x1x4096xf32, #tpu.memory_space<hbm>> -> memref<4096xf32, #tpu.memory_space<hbm>>
          tpu.wait_dma2 semaphore(%arg15 : memref<!tpu.dma_semaphore, #tpu.memory_space<semaphore_mem>>) src(%arg9 : memref<4096xf32, #tpu.memory_space<vmem>>) dst(%dma_wait3A_253 : memref<4096xf32, #tpu.memory_space<hbm>>)
        } else {
        }
        %parallel_loop3A_169 = arith.constant 0 : i32
        %parallel_loop3A_170 = arith.constant 256 : i32
        %parallel_loop3A_171 = arith.constant 1 : i32
        scf.for %parallel_loop3A_246 = %parallel_loop3A_169 to %parallel_loop3A_170 step %parallel_loop3A_171  : i32 {
          %parallel_loop3A_247 = arith.constant 16 : i32
          %parallel_loop3A_248 = arith.muli %parallel_loop3A_246, %parallel_loop3A_247 : i32
          %parallel_loop3A_249 = arith.index_cast %parallel_loop3A_248 : i32 to index
          %parallel_loop3A_250 = tpu.vector_load %arg7[%parallel_loop3A_249] {strides = array<i32>} : memref<4096xi32, #tpu.memory_space<vmem>>, vector<16xi32>,
          %parallel_loop3A_251 = tpu.vector_load_idx %arg5[%parallel_loop3A_250] : memref<100000xf32, #tpu.memory_space<vmem>>[vector<16xi32>], vector<16xf32>,
          %parallel_loop3A_252 = arith.constant 16 : i32
          %parallel_loop3A_253 = arith.muli %parallel_loop3A_246, %parallel_loop3A_252 : i32
          %parallel_loop3A_254 = arith.index_cast %parallel_loop3A_253 : i32 to index
          %parallel_loop3A_255 = tpu.vector_load %arg9[%parallel_loop3A_254] {strides = array<i32>} : memref<4096xf32, #tpu.memory_space<vmem>>, vector<16xf32>,
          tpu.vector_store %arg9[%parallel_loop3A_254], %parallel_loop3A_251 {strides = array<i32>} : memref<4096xf32, #tpu.memory_space<vmem>>, vector<16xf32>,
        } {sc.loop_unroll_factor = 8 : i64, sc.parallel_access}
        %dma_start3A_172 = arith.constant 0 : i32
        %dma_start3A_173 = tpu.memref_slice %arg4[%add3A_147, %add3A_9, %dma_start3A_172] : memref<26x64x4096xf32, #tpu.memory_space<hbm>> -> memref<1x1x4096xf32, #tpu.memory_space<hbm>>
        %dma_start3A_174 = tpu.memref_squeeze %dma_start3A_173 : memref<1x1x4096xf32, #tpu.memory_space<hbm>> -> memref<4096xf32, #tpu.memory_space<hbm>>
        %dma_start3A_175 = arith.constant 0 : i32
        %dma_start3A_176 = tpu.memref_slice %arg4[%add3A_147, %add3A_9, %dma_start3A_175] : memref<26x64x4096xf32, #tpu.memory_space<hbm>> -> memref<1x1x4096xf32, #tpu.memory_space<hbm>>
        %dma_start3A_177 = tpu.memref_squeeze %dma_start3A_176 : memref<1x1x4096xf32, #tpu.memory_space<hbm>> -> memref<4096xf32, #tpu.memory_space<hbm>>
        tpu.enqueue_dma source(%arg9 : memref<4096xf32, #tpu.memory_space<vmem>>) target(%dma_start3A_177 : memref<4096xf32, #tpu.memory_space<hbm>>) target_semaphore(%arg15 : memref<!tpu.dma_semaphore, #tpu.memory_space<semaphore_mem>>)
        %mul3A_178 = arith.constant 4 : i32
        %mul3A_179 = arith.muli %scan3A_112, %mul3A_178 : i32
        %add3A_180 = arith.constant 2 : i32
        %add3A_181 = arith.addi %mul3A_179, %add3A_180 : i32
        %dma_wait3A_182 = arith.constant 0 : i32
        %dma_wait3A_183 = arith.constant 0 : i32
        %dma_wait3A_184 = tpu.memref_slice %arg2[%dma_wait3A_182, %dma_wait3A_183] : memref<26x4096xi32, #tpu.memory_space<hbm>> -> memref<1x4096xi32, #tpu.memory_space<hbm>>
        %dma_wait3A_185 = tpu.memref_squeeze %dma_wait3A_184 : memref<1x4096xi32, #tpu.memory_space<hbm>> -> memref<4096xi32, #tpu.memory_space<hbm>>
        %dma_wait3A_186 = arith.constant 0 : i32
        %dma_wait3A_187 = tpu.memref_slice %arg2[%dma_wait3A_182, %dma_wait3A_186] : memref<26x4096xi32, #tpu.memory_space<hbm>> -> memref<1x4096xi32, #tpu.memory_space<hbm>>
        %dma_wait3A_188 = tpu.memref_squeeze %dma_wait3A_187 : memref<1x4096xi32, #tpu.memory_space<hbm>> -> memref<4096xi32, #tpu.memory_space<hbm>>
        tpu.wait_dma2 semaphore(%arg12 : memref<!tpu.dma_semaphore, #tpu.memory_space<semaphore_mem>>) src(%dma_wait3A_188 : memref<4096xi32, #tpu.memory_space<hbm>>) dst(%arg6 : memref<4096xi32, #tpu.memory_space<vmem>>)
        %add3A_189 = arith.constant 2 : i32
        %add3A_190 = arith.addi %add3A_181, %add3A_189 : i32
        %sub3A_191 = arith.constant 1 : i32
        %sub3A_192 = arith.subi %add3A_190, %sub3A_191 : i32
        %lt3A_193 = arith.constant 26 : i32
        %lt3A_194 = arith.cmpi slt, %sub3A_192, %lt3A_193 : i32
        %convert_element_type3A_195 = arith.extui %lt3A_194 : i1 to i32
        %cond3A_196 = arith.constant 0 : i32
        %cond3A_197 = arith.cmpi ne, %convert_element_type3A_195, %cond3A_196 : i32
        scf.if %cond3A_197 {
          %add3A_246 = arith.constant 2 : i32
          %add3A_247 = arith.addi %add3A_181, %add3A_246 : i32
          %sub3A_248 = arith.constant 1 : i32
          %sub3A_249 = arith.subi %add3A_247, %sub3A_248 : i32
          %lt3A_250 = arith.constant 24 : i32
          %lt3A_251 = arith.cmpi slt, %sub3A_249, %lt3A_250 : i32
          %convert_element_type3A_252 = arith.extui %lt3A_251 : i1 to i32
          %cond3A_253 = arith.constant 0 : i32
          %cond3A_254 = arith.cmpi ne, %convert_element_type3A_252, %cond3A_253 : i32
          scf.if %cond3A_254 {
            %dma_start3A_260 = arith.constant 0 : i32
            %dma_start3A_261 = tpu.memref_slice %arg19[%sub3A_249, %dma_start3A_260] : memref<24x4096xi32, #tpu.memory_space<vmem_shared>> -> memref<1x4096xi32, #tpu.memory_space<vmem_shared>>
            %dma_start3A_262 = tpu.memref_squeeze %dma_start3A_261 : memref<1x4096xi32, #tpu.memory_space<vmem_shared>> -> memref<4096xi32, #tpu.memory_space<vmem_shared>>
            %dma_start3A_263 = arith.constant 0 : i32
            %dma_start3A_264 = tpu.memref_slice %arg19[%sub3A_249, %dma_start3A_263] : memref<24x4096xi32, #tpu.memory_space<vmem_shared>> -> memref<1x4096xi32, #tpu.memory_space<vmem_shared>>
            %dma_start3A_265 = tpu.memref_squeeze %dma_start3A_264 : memref<1x4096xi32, #tpu.memory_space<vmem_shared>> -> memref<4096xi32, #tpu.memory_space<vmem_shared>>
            tpu.enqueue_dma source(%dma_start3A_265 : memref<4096xi32, #tpu.memory_space<vmem_shared>>) target(%arg7 : memref<4096xi32, #tpu.memory_space<vmem>>) target_semaphore(%arg13 : memref<!tpu.dma_semaphore, #tpu.memory_space<semaphore_mem>>)
          } else {
          }
          %ge3A_255 = arith.constant 24 : i32
          %ge3A_256 = arith.cmpi sge, %sub3A_249, %ge3A_255 : i32
          %convert_element_type3A_257 = arith.extui %ge3A_256 : i1 to i32
          %cond3A_258 = arith.constant 0 : i32
          %cond3A_259 = arith.cmpi ne, %convert_element_type3A_257, %cond3A_258 : i32
          scf.if %cond3A_259 {
            %dma_start3A_260 = arith.constant 0 : i32
            %dma_start3A_261 = tpu.memref_slice %arg2[%sub3A_249, %dma_start3A_260] : memref<26x4096xi32, #tpu.memory_space<hbm>> -> memref<1x4096xi32, #tpu.memory_space<hbm>>
            %dma_start3A_262 = tpu.memref_squeeze %dma_start3A_261 : memref<1x4096xi32, #tpu.memory_space<hbm>> -> memref<4096xi32, #tpu.memory_space<hbm>>
            %dma_start3A_263 = arith.constant 0 : i32
            %dma_start3A_264 = tpu.memref_slice %arg2[%sub3A_249, %dma_start3A_263] : memref<26x4096xi32, #tpu.memory_space<hbm>> -> memref<1x4096xi32, #tpu.memory_space<hbm>>
            %dma_start3A_265 = tpu.memref_squeeze %dma_start3A_264 : memref<1x4096xi32, #tpu.memory_space<hbm>> -> memref<4096xi32, #tpu.memory_space<hbm>>
            tpu.enqueue_dma source(%dma_start3A_265 : memref<4096xi32, #tpu.memory_space<hbm>>) target(%arg7 : memref<4096xi32, #tpu.memory_space<vmem>>) target_semaphore(%arg13 : memref<!tpu.dma_semaphore, #tpu.memory_space<semaphore_mem>>)
          } else {
          }
        } else {
        }
        %ge3A_198 = arith.constant 4 : i32
        %ge3A_199 = arith.cmpi sge, %add3A_181, %ge3A_198 : i32
        %convert_element_type3A_200 = arith.extui %ge3A_199 : i1 to i32
        %cond3A_201 = arith.constant 0 : i32
        %cond3A_202 = arith.cmpi ne, %convert_element_type3A_200, %cond3A_201 : i32
        scf.if %cond3A_202 {
          %sub3A_246 = arith.constant 4 : i32
          %sub3A_247 = arith.subi %add3A_181, %sub3A_246 : i32
          %dma_wait3A_248 = arith.constant 0 : i32
          %dma_wait3A_249 = tpu.memref_slice %arg4[%sub3A_247, %add3A_9, %dma_wait3A_248] : memref<26x64x4096xf32, #tpu.memory_space<hbm>> -> memref<1x1x4096xf32, #tpu.memory_space<hbm>>
          %dma_wait3A_250 = tpu.memref_squeeze %dma_wait3A_249 : memref<1x1x4096xf32, #tpu.memory_space<hbm>> -> memref<4096xf32, #tpu.memory_space<hbm>>
          %dma_wait3A_251 = arith.constant 0 : i32
          %dma_wait3A_252 = tpu.memref_slice %arg4[%sub3A_247, %add3A_9, %dma_wait3A_251] : memref<26x64x4096xf32, #tpu.memory_space<hbm>> -> memref<1x1x4096xf32, #tpu.memory_space<hbm>>
          %dma_wait3A_253 = tpu.memref_squeeze %dma_wait3A_252 : memref<1x1x4096xf32, #tpu.memory_space<hbm>> -> memref<4096xf32, #tpu.memory_space<hbm>>
          tpu.wait_dma2 semaphore(%arg16 : memref<!tpu.dma_semaphore, #tpu.memory_space<semaphore_mem>>) src(%arg10 : memref<4096xf32, #tpu.memory_space<vmem>>) dst(%dma_wait3A_253 : memref<4096xf32, #tpu.memory_space<hbm>>)
        } else {
        }
        %parallel_loop3A_203 = arith.constant 0 : i32
        %parallel_loop3A_204 = arith.constant 256 : i32
        %parallel_loop3A_205 = arith.constant 1 : i32
        scf.for %parallel_loop3A_246 = %parallel_loop3A_203 to %parallel_loop3A_204 step %parallel_loop3A_205  : i32 {
          %parallel_loop3A_247 = arith.constant 16 : i32
          %parallel_loop3A_248 = arith.muli %parallel_loop3A_246, %parallel_loop3A_247 : i32
          %parallel_loop3A_249 = arith.index_cast %parallel_loop3A_248 : i32 to index
          %parallel_loop3A_250 = tpu.vector_load %arg6[%parallel_loop3A_249] {strides = array<i32>} : memref<4096xi32, #tpu.memory_space<vmem>>, vector<16xi32>,
          %parallel_loop3A_251 = tpu.vector_load_idx %arg5[%parallel_loop3A_250] : memref<100000xf32, #tpu.memory_space<vmem>>[vector<16xi32>], vector<16xf32>,
          %parallel_loop3A_252 = arith.constant 16 : i32
          %parallel_loop3A_253 = arith.muli %parallel_loop3A_246, %parallel_loop3A_252 : i32
          %parallel_loop3A_254 = arith.index_cast %parallel_loop3A_253 : i32 to index
          %parallel_loop3A_255 = tpu.vector_load %arg10[%parallel_loop3A_254] {strides = array<i32>} : memref<4096xf32, #tpu.memory_space<vmem>>, vector<16xf32>,
          tpu.vector_store %arg10[%parallel_loop3A_254], %parallel_loop3A_251 {strides = array<i32>} : memref<4096xf32, #tpu.memory_space<vmem>>, vector<16xf32>,
        } {sc.loop_unroll_factor = 8 : i64, sc.parallel_access}
        %dma_start3A_206 = arith.constant 0 : i32
        %dma_start3A_207 = tpu.memref_slice %arg4[%add3A_181, %add3A_9, %dma_start3A_206] : memref<26x64x4096xf32, #tpu.memory_space<hbm>> -> memref<1x1x4096xf32, #tpu.memory_space<hbm>>
        %dma_start3A_208 = tpu.memref_squeeze %dma_start3A_207 : memref<1x1x4096xf32, #tpu.memory_space<hbm>> -> memref<4096xf32, #tpu.memory_space<hbm>>
        %dma_start3A_209 = arith.constant 0 : i32
        %dma_start3A_210 = tpu.memref_slice %arg4[%add3A_181, %add3A_9, %dma_start3A_209] : memref<26x64x4096xf32, #tpu.memory_space<hbm>> -> memref<1x1x4096xf32, #tpu.memory_space<hbm>>
        %dma_start3A_211 = tpu.memref_squeeze %dma_start3A_210 : memref<1x1x4096xf32, #tpu.memory_space<hbm>> -> memref<4096xf32, #tpu.memory_space<hbm>>
        tpu.enqueue_dma source(%arg10 : memref<4096xf32, #tpu.memory_space<vmem>>) target(%dma_start3A_211 : memref<4096xf32, #tpu.memory_space<hbm>>) target_semaphore(%arg16 : memref<!tpu.dma_semaphore, #tpu.memory_space<semaphore_mem>>)
        %mul3A_212 = arith.constant 4 : i32
        %mul3A_213 = arith.muli %scan3A_112, %mul3A_212 : i32
        %add3A_214 = arith.constant 3 : i32
        %add3A_215 = arith.addi %mul3A_213, %add3A_214 : i32
        %dma_wait3A_216 = arith.constant 0 : i32
        %dma_wait3A_217 = arith.constant 0 : i32
        %dma_wait3A_218 = tpu.memref_slice %arg2[%dma_wait3A_216, %dma_wait3A_217] : memref<26x4096xi32, #tpu.memory_space<hbm>> -> memref<1x4096xi32, #tpu.memory_space<hbm>>
        %dma_wait3A_219 = tpu.memref_squeeze %dma_wait3A_218 : memref<1x4096xi32, #tpu.memory_space<hbm>> -> memref<4096xi32, #tpu.memory_space<hbm>>
        %dma_wait3A_220 = arith.constant 0 : i32
        %dma_wait3A_221 = tpu.memref_slice %arg2[%dma_wait3A_216, %dma_wait3A_220] : memref<26x4096xi32, #tpu.memory_space<hbm>> -> memref<1x4096xi32, #tpu.memory_space<hbm>>
        %dma_wait3A_222 = tpu.memref_squeeze %dma_wait3A_221 : memref<1x4096xi32, #tpu.memory_space<hbm>> -> memref<4096xi32, #tpu.memory_space<hbm>>
        tpu.wait_dma2 semaphore(%arg13 : memref<!tpu.dma_semaphore, #tpu.memory_space<semaphore_mem>>) src(%dma_wait3A_222 : memref<4096xi32, #tpu.memory_space<hbm>>) dst(%arg7 : memref<4096xi32, #tpu.memory_space<vmem>>)
        %add3A_223 = arith.constant 2 : i32
        %add3A_224 = arith.addi %add3A_215, %add3A_223 : i32
        %sub3A_225 = arith.constant 1 : i32
        %sub3A_226 = arith.subi %add3A_224, %sub3A_225 : i32
        %lt3A_227 = arith.constant 26 : i32
        %lt3A_228 = arith.cmpi slt, %sub3A_226, %lt3A_227 : i32
        %convert_element_type3A_229 = arith.extui %lt3A_228 : i1 to i32
        %cond3A_230 = arith.constant 0 : i32
        %cond3A_231 = arith.cmpi ne, %convert_element_type3A_229, %cond3A_230 : i32
        scf.if %cond3A_231 {
          %add3A_246 = arith.constant 2 : i32
          %add3A_247 = arith.addi %add3A_215, %add3A_246 : i32
          %sub3A_248 = arith.constant 1 : i32
          %sub3A_249 = arith.subi %add3A_247, %sub3A_248 : i32
          %lt3A_250 = arith.constant 24 : i32
          %lt3A_251 = arith.cmpi slt, %sub3A_249, %lt3A_250 : i32
          %convert_element_type3A_252 = arith.extui %lt3A_251 : i1 to i32
          %cond3A_253 = arith.constant 0 : i32
          %cond3A_254 = arith.cmpi ne, %convert_element_type3A_252, %cond3A_253 : i32
          scf.if %cond3A_254 {
            %dma_start3A_260 = arith.constant 0 : i32
            %dma_start3A_261 = tpu.memref_slice %arg19[%sub3A_249, %dma_start3A_260] : memref<24x4096xi32, #tpu.memory_space<vmem_shared>> -> memref<1x4096xi32, #tpu.memory_space<vmem_shared>>
            %dma_start3A_262 = tpu.memref_squeeze %dma_start3A_261 : memref<1x4096xi32, #tpu.memory_space<vmem_shared>> -> memref<4096xi32, #tpu.memory_space<vmem_shared>>
            %dma_start3A_263 = arith.constant 0 : i32
            %dma_start3A_264 = tpu.memref_slice %arg19[%sub3A_249, %dma_start3A_263] : memref<24x4096xi32, #tpu.memory_space<vmem_shared>> -> memref<1x4096xi32, #tpu.memory_space<vmem_shared>>
            %dma_start3A_265 = tpu.memref_squeeze %dma_start3A_264 : memref<1x4096xi32, #tpu.memory_space<vmem_shared>> -> memref<4096xi32, #tpu.memory_space<vmem_shared>>
            tpu.enqueue_dma source(%dma_start3A_265 : memref<4096xi32, #tpu.memory_space<vmem_shared>>) target(%arg6 : memref<4096xi32, #tpu.memory_space<vmem>>) target_semaphore(%arg12 : memref<!tpu.dma_semaphore, #tpu.memory_space<semaphore_mem>>)
          } else {
          }
          %ge3A_255 = arith.constant 24 : i32
          %ge3A_256 = arith.cmpi sge, %sub3A_249, %ge3A_255 : i32
          %convert_element_type3A_257 = arith.extui %ge3A_256 : i1 to i32
          %cond3A_258 = arith.constant 0 : i32
          %cond3A_259 = arith.cmpi ne, %convert_element_type3A_257, %cond3A_258 : i32
          scf.if %cond3A_259 {
            %dma_start3A_260 = arith.constant 0 : i32
            %dma_start3A_261 = tpu.memref_slice %arg2[%sub3A_249, %dma_start3A_260] : memref<26x4096xi32, #tpu.memory_space<hbm>> -> memref<1x4096xi32, #tpu.memory_space<hbm>>
            %dma_start3A_262 = tpu.memref_squeeze %dma_start3A_261 : memref<1x4096xi32, #tpu.memory_space<hbm>> -> memref<4096xi32, #tpu.memory_space<hbm>>
            %dma_start3A_263 = arith.constant 0 : i32
            %dma_start3A_264 = tpu.memref_slice %arg2[%sub3A_249, %dma_start3A_263] : memref<26x4096xi32, #tpu.memory_space<hbm>> -> memref<1x4096xi32, #tpu.memory_space<hbm>>
            %dma_start3A_265 = tpu.memref_squeeze %dma_start3A_264 : memref<1x4096xi32, #tpu.memory_space<hbm>> -> memref<4096xi32, #tpu.memory_space<hbm>>
            tpu.enqueue_dma source(%dma_start3A_265 : memref<4096xi32, #tpu.memory_space<hbm>>) target(%arg6 : memref<4096xi32, #tpu.memory_space<vmem>>) target_semaphore(%arg12 : memref<!tpu.dma_semaphore, #tpu.memory_space<semaphore_mem>>)
          } else {
          }
        } else {
        }
        %ge3A_232 = arith.constant 4 : i32
        %ge3A_233 = arith.cmpi sge, %add3A_215, %ge3A_232 : i32
        %convert_element_type3A_234 = arith.extui %ge3A_233 : i1 to i32
        %cond3A_235 = arith.constant 0 : i32
        %cond3A_236 = arith.cmpi ne, %convert_element_type3A_234, %cond3A_235 : i32
        scf.if %cond3A_236 {
          %sub3A_246 = arith.constant 4 : i32
          %sub3A_247 = arith.subi %add3A_215, %sub3A_246 : i32
          %dma_wait3A_248 = arith.constant 0 : i32
          %dma_wait3A_249 = tpu.memref_slice %arg4[%sub3A_247, %add3A_9, %dma_wait3A_248] : memref<26x64x4096xf32, #tpu.memory_space<hbm>> -> memref<1x1x4096xf32, #tpu.memory_space<hbm>>
          %dma_wait3A_250 = tpu.memref_squeeze %dma_wait3A_249 : memref<1x1x4096xf32, #tpu.memory_space<hbm>> -> memref<4096xf32, #tpu.memory_space<hbm>>
          %dma_wait3A_251 = arith.constant 0 : i32
          %dma_wait3A_252 = tpu.memref_slice %arg4[%sub3A_247, %add3A_9, %dma_wait3A_251] : memref<26x64x4096xf32, #tpu.memory_space<hbm>> -> memref<1x1x4096xf32, #tpu.memory_space<hbm>>
          %dma_wait3A_253 = tpu.memref_squeeze %dma_wait3A_252 : memref<1x1x4096xf32, #tpu.memory_space<hbm>> -> memref<4096xf32, #tpu.memory_space<hbm>>
          tpu.wait_dma2 semaphore(%arg17 : memref<!tpu.dma_semaphore, #tpu.memory_space<semaphore_mem>>) src(%arg11 : memref<4096xf32, #tpu.memory_space<vmem>>) dst(%dma_wait3A_253 : memref<4096xf32, #tpu.memory_space<hbm>>)
        } else {
        }
        %parallel_loop3A_237 = arith.constant 0 : i32
        %parallel_loop3A_238 = arith.constant 256 : i32
        %parallel_loop3A_239 = arith.constant 1 : i32
        scf.for %parallel_loop3A_246 = %parallel_loop3A_237 to %parallel_loop3A_238 step %parallel_loop3A_239  : i32 {
          %parallel_loop3A_247 = arith.constant 16 : i32
          %parallel_loop3A_248 = arith.muli %parallel_loop3A_246, %parallel_loop3A_247 : i32
          %parallel_loop3A_249 = arith.index_cast %parallel_loop3A_248 : i32 to index
          %parallel_loop3A_250 = tpu.vector_load %arg7[%parallel_loop3A_249] {strides = array<i32>} : memref<4096xi32, #tpu.memory_space<vmem>>, vector<16xi32>,
          %parallel_loop3A_251 = tpu.vector_load_idx %arg5[%parallel_loop3A_250] : memref<100000xf32, #tpu.memory_space<vmem>>[vector<16xi32>], vector<16xf32>,
          %parallel_loop3A_252 = arith.constant 16 : i32
          %parallel_loop3A_253 = arith.muli %parallel_loop3A_246, %parallel_loop3A_252 : i32
          %parallel_loop3A_254 = arith.index_cast %parallel_loop3A_253 : i32 to index
          %parallel_loop3A_255 = tpu.vector_load %arg11[%parallel_loop3A_254] {strides = array<i32>} : memref<4096xf32, #tpu.memory_space<vmem>>, vector<16xf32>,
          tpu.vector_store %arg11[%parallel_loop3A_254], %parallel_loop3A_251 {strides = array<i32>} : memref<4096xf32, #tpu.memory_space<vmem>>, vector<16xf32>,
        } {sc.loop_unroll_factor = 8 : i64, sc.parallel_access}
        %dma_start3A_240 = arith.constant 0 : i32
        %dma_start3A_241 = tpu.memref_slice %arg4[%add3A_215, %add3A_9, %dma_start3A_240] : memref<26x64x4096xf32, #tpu.memory_space<hbm>> -> memref<1x1x4096xf32, #tpu.memory_space<hbm>>
        %dma_start3A_242 = tpu.memref_squeeze %dma_start3A_241 : memref<1x1x4096xf32, #tpu.memory_space<hbm>> -> memref<4096xf32, #tpu.memory_space<hbm>>
        %dma_start3A_243 = arith.constant 0 : i32
        %dma_start3A_244 = tpu.memref_slice %arg4[%add3A_215, %add3A_9, %dma_start3A_243] : memref<26x64x4096xf32, #tpu.memory_space<hbm>> -> memref<1x1x4096xf32, #tpu.memory_space<hbm>>
        %dma_start3A_245 = tpu.memref_squeeze %dma_start3A_244 : memref<1x1x4096xf32, #tpu.memory_space<hbm>> -> memref<4096xf32, #tpu.memory_space<hbm>>
        tpu.enqueue_dma source(%arg11 : memref<4096xf32, #tpu.memory_space<vmem>>) target(%dma_start3A_245 : memref<4096xf32, #tpu.memory_space<hbm>>) target_semaphore(%arg17 : memref<!tpu.dma_semaphore, #tpu.memory_space<semaphore_mem>>)
      }
      %scan3A_30 = arith.constant 6 : i32
      %dma_wait3A = arith.constant 0 : i32
      %dma_wait3A_31 = arith.constant 0 : i32
      %dma_wait3A_32 = tpu.memref_slice %arg2[%dma_wait3A, %dma_wait3A_31] : memref<26x4096xi32, #tpu.memory_space<hbm>> -> memref<1x4096xi32, #tpu.memory_space<hbm>>
      %dma_wait3A_33 = tpu.memref_squeeze %dma_wait3A_32 : memref<1x4096xi32, #tpu.memory_space<hbm>> -> memref<4096xi32, #tpu.memory_space<hbm>>
      %dma_wait3A_34 = arith.constant 0 : i32
      %dma_wait3A_35 = tpu.memref_slice %arg2[%dma_wait3A, %dma_wait3A_34] : memref<26x4096xi32, #tpu.memory_space<hbm>> -> memref<1x4096xi32, #tpu.memory_space<hbm>>
      %dma_wait3A_36 = tpu.memref_squeeze %dma_wait3A_35 : memref<1x4096xi32, #tpu.memory_space<hbm>> -> memref<4096xi32, #tpu.memory_space<hbm>>
      tpu.wait_dma2 semaphore(%arg12 : memref<!tpu.dma_semaphore, #tpu.memory_space<semaphore_mem>>) src(%dma_wait3A_36 : memref<4096xi32, #tpu.memory_space<hbm>>) dst(%arg6 : memref<4096xi32, #tpu.memory_space<vmem>>)
      %dma_start3A_37 = arith.constant 25 : i32
      %dma_start3A_38 = arith.constant 0 : i32
      %dma_start3A_39 = tpu.memref_slice %arg2[%dma_start3A_37, %dma_start3A_38] : memref<26x4096xi32, #tpu.memory_space<hbm>> -> memref<1x4096xi32, #tpu.memory_space<hbm>>
      %dma_start3A_40 = tpu.memref_squeeze %dma_start3A_39 : memref<1x4096xi32, #tpu.memory_space<hbm>> -> memref<4096xi32, #tpu.memory_space<hbm>>
      %dma_start3A_41 = arith.constant 0 : i32
      %dma_start3A_42 = tpu.memref_slice %arg2[%dma_start3A_37, %dma_start3A_41] : memref<26x4096xi32, #tpu.memory_space<hbm>> -> memref<1x4096xi32, #tpu.memory_space<hbm>>
      %dma_start3A_43 = tpu.memref_squeeze %dma_start3A_42 : memref<1x4096xi32, #tpu.memory_space<hbm>> -> memref<4096xi32, #tpu.memory_space<hbm>>
      tpu.enqueue_dma source(%dma_start3A_43 : memref<4096xi32, #tpu.memory_space<hbm>>) target(%arg7 : memref<4096xi32, #tpu.memory_space<vmem>>) target_semaphore(%arg13 : memref<!tpu.dma_semaphore, #tpu.memory_space<semaphore_mem>>)
      %dma_wait3A_44 = arith.constant 20 : i32
      %dma_wait3A_45 = arith.constant 0 : i32
      %dma_wait3A_46 = tpu.memref_slice %arg4[%dma_wait3A_44, %add3A_9, %dma_wait3A_45] : memref<26x64x4096xf32, #tpu.memory_space<hbm>> -> memref<1x1x4096xf32, #tpu.memory_space<hbm>>
      %dma_wait3A_47 = tpu.memref_squeeze %dma_wait3A_46 : memref<1x1x4096xf32, #tpu.memory_space<hbm>> -> memref<4096xf32, #tpu.memory_space<hbm>>
      %dma_wait3A_48 = arith.constant 0 : i32
      %dma_wait3A_49 = tpu.memref_slice %arg4[%dma_wait3A_44, %add3A_9, %dma_wait3A_48] : memref<26x64x4096xf32, #tpu.memory_space<hbm>> -> memref<1x1x4096xf32, #tpu.memory_space<hbm>>
      %dma_wait3A_50 = tpu.memref_squeeze %dma_wait3A_49 : memref<1x1x4096xf32, #tpu.memory_space<hbm>> -> memref<4096xf32, #tpu.memory_space<hbm>>
      tpu.wait_dma2 semaphore(%arg14 : memref<!tpu.dma_semaphore, #tpu.memory_space<semaphore_mem>>) src(%arg8 : memref<4096xf32, #tpu.memory_space<vmem>>) dst(%dma_wait3A_50 : memref<4096xf32, #tpu.memory_space<hbm>>)
      %parallel_loop3A = arith.constant 0 : i32
      %parallel_loop3A_51 = arith.constant 256 : i32
      %parallel_loop3A_52 = arith.constant 1 : i32
      scf.for %parallel_loop3A_112 = %parallel_loop3A to %parallel_loop3A_51 step %parallel_loop3A_52  : i32 {
        %parallel_loop3A_113 = arith.constant 16 : i32
        %parallel_loop3A_114 = arith.muli %parallel_loop3A_112, %parallel_loop3A_113 : i32
        %parallel_loop3A_115 = arith.index_cast %parallel_loop3A_114 : i32 to index
        %parallel_loop3A_116 = tpu.vector_load %arg6[%parallel_loop3A_115] {strides = array<i32>} : memref<4096xi32, #tpu.memory_space<vmem>>, vector<16xi32>,
        %parallel_loop3A_117 = tpu.vector_load_idx %arg5[%parallel_loop3A_116] : memref<100000xf32, #tpu.memory_space<vmem>>[vector<16xi32>], vector<16xf32>,
        %parallel_loop3A_118 = arith.constant 16 : i32
        %parallel_loop3A_119 = arith.muli %parallel_loop3A_112, %parallel_loop3A_118 : i32
        %parallel_loop3A_120 = arith.index_cast %parallel_loop3A_119 : i32 to index
        %parallel_loop3A_121 = tpu.vector_load %arg8[%parallel_loop3A_120] {strides = array<i32>} : memref<4096xf32, #tpu.memory_space<vmem>>, vector<16xf32>,
        tpu.vector_store %arg8[%parallel_loop3A_120], %parallel_loop3A_117 {strides = array<i32>} : memref<4096xf32, #tpu.memory_space<vmem>>, vector<16xf32>,
      } {sc.loop_unroll_factor = 8 : i64, sc.parallel_access}
      %dma_start3A_53 = arith.constant 24 : i32
      %dma_start3A_54 = arith.constant 0 : i32
      %dma_start3A_55 = tpu.memref_slice %arg4[%dma_start3A_53, %add3A_9, %dma_start3A_54] : memref<26x64x4096xf32, #tpu.memory_space<hbm>> -> memref<1x1x4096xf32, #tpu.memory_space<hbm>>
      %dma_start3A_56 = tpu.memref_squeeze %dma_start3A_55 : memref<1x1x4096xf32, #tpu.memory_space<hbm>> -> memref<4096xf32, #tpu.memory_space<hbm>>
      %dma_start3A_57 = arith.constant 0 : i32
      %dma_start3A_58 = tpu.memref_slice %arg4[%dma_start3A_53, %add3A_9, %dma_start3A_57] : memref<26x64x4096xf32, #tpu.memory_space<hbm>> -> memref<1x1x4096xf32, #tpu.memory_space<hbm>>
      %dma_start3A_59 = tpu.memref_squeeze %dma_start3A_58 : memref<1x1x4096xf32, #tpu.memory_space<hbm>> -> memref<4096xf32, #tpu.memory_space<hbm>>
      tpu.enqueue_dma source(%arg8 : memref<4096xf32, #tpu.memory_space<vmem>>) target(%dma_start3A_59 : memref<4096xf32, #tpu.memory_space<hbm>>) target_semaphore(%arg14 : memref<!tpu.dma_semaphore, #tpu.memory_space<semaphore_mem>>)
      %dma_wait3A_60 = arith.constant 0 : i32
      %dma_wait3A_61 = arith.constant 0 : i32
      %dma_wait3A_62 = tpu.memref_slice %arg2[%dma_wait3A_60, %dma_wait3A_61] : memref<26x4096xi32, #tpu.memory_space<hbm>> -> memref<1x4096xi32, #tpu.memory_space<hbm>>
      %dma_wait3A_63 = tpu.memref_squeeze %dma_wait3A_62 : memref<1x4096xi32, #tpu.memory_space<hbm>> -> memref<4096xi32, #tpu.memory_space<hbm>>
      %dma_wait3A_64 = arith.constant 0 : i32
      %dma_wait3A_65 = tpu.memref_slice %arg2[%dma_wait3A_60, %dma_wait3A_64] : memref<26x4096xi32, #tpu.memory_space<hbm>> -> memref<1x4096xi32, #tpu.memory_space<hbm>>
      %dma_wait3A_66 = tpu.memref_squeeze %dma_wait3A_65 : memref<1x4096xi32, #tpu.memory_space<hbm>> -> memref<4096xi32, #tpu.memory_space<hbm>>
      tpu.wait_dma2 semaphore(%arg13 : memref<!tpu.dma_semaphore, #tpu.memory_space<semaphore_mem>>) src(%dma_wait3A_66 : memref<4096xi32, #tpu.memory_space<hbm>>) dst(%arg7 : memref<4096xi32, #tpu.memory_space<vmem>>)
      %dma_wait3A_67 = arith.constant 21 : i32
      %dma_wait3A_68 = arith.constant 0 : i32
      %dma_wait3A_69 = tpu.memref_slice %arg4[%dma_wait3A_67, %add3A_9, %dma_wait3A_68] : memref<26x64x4096xf32, #tpu.memory_space<hbm>> -> memref<1x1x4096xf32, #tpu.memory_space<hbm>>
      %dma_wait3A_70 = tpu.memref_squeeze %dma_wait3A_69 : memref<1x1x4096xf32, #tpu.memory_space<hbm>> -> memref<4096xf32, #tpu.memory_space<hbm>>
      %dma_wait3A_71 = arith.constant 0 : i32
      %dma_wait3A_72 = tpu.memref_slice %arg4[%dma_wait3A_67, %add3A_9, %dma_wait3A_71] : memref<26x64x4096xf32, #tpu.memory_space<hbm>> -> memref<1x1x4096xf32, #tpu.memory_space<hbm>>
      %dma_wait3A_73 = tpu.memref_squeeze %dma_wait3A_72 : memref<1x1x4096xf32, #tpu.memory_space<hbm>> -> memref<4096xf32, #tpu.memory_space<hbm>>
      tpu.wait_dma2 semaphore(%arg15 : memref<!tpu.dma_semaphore, #tpu.memory_space<semaphore_mem>>) src(%arg9 : memref<4096xf32, #tpu.memory_space<vmem>>) dst(%dma_wait3A_73 : memref<4096xf32, #tpu.memory_space<hbm>>)
      %parallel_loop3A_74 = arith.constant 0 : i32
      %parallel_loop3A_75 = arith.constant 256 : i32
      %parallel_loop3A_76 = arith.constant 1 : i32
      scf.for %parallel_loop3A_112 = %parallel_loop3A_74 to %parallel_loop3A_75 step %parallel_loop3A_76  : i32 {
        %parallel_loop3A_113 = arith.constant 16 : i32
        %parallel_loop3A_114 = arith.muli %parallel_loop3A_112, %parallel_loop3A_113 : i32
        %parallel_loop3A_115 = arith.index_cast %parallel_loop3A_114 : i32 to index
        %parallel_loop3A_116 = tpu.vector_load %arg7[%parallel_loop3A_115] {strides = array<i32>} : memref<4096xi32, #tpu.memory_space<vmem>>, vector<16xi32>,
        %parallel_loop3A_117 = tpu.vector_load_idx %arg5[%parallel_loop3A_116] : memref<100000xf32, #tpu.memory_space<vmem>>[vector<16xi32>], vector<16xf32>,
        %parallel_loop3A_118 = arith.constant 16 : i32
        %parallel_loop3A_119 = arith.muli %parallel_loop3A_112, %parallel_loop3A_118 : i32
        %parallel_loop3A_120 = arith.index_cast %parallel_loop3A_119 : i32 to index
        %parallel_loop3A_121 = tpu.vector_load %arg9[%parallel_loop3A_120] {strides = array<i32>} : memref<4096xf32, #tpu.memory_space<vmem>>, vector<16xf32>,
        tpu.vector_store %arg9[%parallel_loop3A_120], %parallel_loop3A_117 {strides = array<i32>} : memref<4096xf32, #tpu.memory_space<vmem>>, vector<16xf32>,
      } {sc.loop_unroll_factor = 8 : i64, sc.parallel_access}
      %dma_start3A_77 = arith.constant 25 : i32
      %dma_start3A_78 = arith.constant 0 : i32
      %dma_start3A_79 = tpu.memref_slice %arg4[%dma_start3A_77, %add3A_9, %dma_start3A_78] : memref<26x64x4096xf32, #tpu.memory_space<hbm>> -> memref<1x1x4096xf32, #tpu.memory_space<hbm>>
      %dma_start3A_80 = tpu.memref_squeeze %dma_start3A_79 : memref<1x1x4096xf32, #tpu.memory_space<hbm>> -> memref<4096xf32, #tpu.memory_space<hbm>>
      %dma_start3A_81 = arith.constant 0 : i32
      %dma_start3A_82 = tpu.memref_slice %arg4[%dma_start3A_77, %add3A_9, %dma_start3A_81] : memref<26x64x4096xf32, #tpu.memory_space<hbm>> -> memref<1x1x4096xf32, #tpu.memory_space<hbm>>
      %dma_start3A_83 = tpu.memref_squeeze %dma_start3A_82 : memref<1x1x4096xf32, #tpu.memory_space<hbm>> -> memref<4096xf32, #tpu.memory_space<hbm>>
      tpu.enqueue_dma source(%arg9 : memref<4096xf32, #tpu.memory_space<vmem>>) target(%dma_start3A_83 : memref<4096xf32, #tpu.memory_space<hbm>>) target_semaphore(%arg15 : memref<!tpu.dma_semaphore, #tpu.memory_space<semaphore_mem>>)
      %dma_wait3A_84 = arith.constant 22 : i32
      %dma_wait3A_85 = arith.constant 0 : i32
      %dma_wait3A_86 = tpu.memref_slice %arg4[%dma_wait3A_84, %add3A_9, %dma_wait3A_85] : memref<26x64x4096xf32, #tpu.memory_space<hbm>> -> memref<1x1x4096xf32, #tpu.memory_space<hbm>>
      %dma_wait3A_87 = tpu.memref_squeeze %dma_wait3A_86 : memref<1x1x4096xf32, #tpu.memory_space<hbm>> -> memref<4096xf32, #tpu.memory_space<hbm>>
      %dma_wait3A_88 = arith.constant 0 : i32
      %dma_wait3A_89 = tpu.memref_slice %arg4[%dma_wait3A_84, %add3A_9, %dma_wait3A_88] : memref<26x64x4096xf32, #tpu.memory_space<hbm>> -> memref<1x1x4096xf32, #tpu.memory_space<hbm>>
      %dma_wait3A_90 = tpu.memref_squeeze %dma_wait3A_89 : memref<1x1x4096xf32, #tpu.memory_space<hbm>> -> memref<4096xf32, #tpu.memory_space<hbm>>
      tpu.wait_dma2 semaphore(%arg16 : memref<!tpu.dma_semaphore, #tpu.memory_space<semaphore_mem>>) src(%arg10 : memref<4096xf32, #tpu.memory_space<vmem>>) dst(%dma_wait3A_90 : memref<4096xf32, #tpu.memory_space<hbm>>)
      %dma_wait3A_91 = arith.constant 23 : i32
      %dma_wait3A_92 = arith.constant 0 : i32
      %dma_wait3A_93 = tpu.memref_slice %arg4[%dma_wait3A_91, %add3A_9, %dma_wait3A_92] : memref<26x64x4096xf32, #tpu.memory_space<hbm>> -> memref<1x1x4096xf32, #tpu.memory_space<hbm>>
      %dma_wait3A_94 = tpu.memref_squeeze %dma_wait3A_93 : memref<1x1x4096xf32, #tpu.memory_space<hbm>> -> memref<4096xf32, #tpu.memory_space<hbm>>
      %dma_wait3A_95 = arith.constant 0 : i32
      %dma_wait3A_96 = tpu.memref_slice %arg4[%dma_wait3A_91, %add3A_9, %dma_wait3A_95] : memref<26x64x4096xf32, #tpu.memory_space<hbm>> -> memref<1x1x4096xf32, #tpu.memory_space<hbm>>
      %dma_wait3A_97 = tpu.memref_squeeze %dma_wait3A_96 : memref<1x1x4096xf32, #tpu.memory_space<hbm>> -> memref<4096xf32, #tpu.memory_space<hbm>>
      tpu.wait_dma2 semaphore(%arg17 : memref<!tpu.dma_semaphore, #tpu.memory_space<semaphore_mem>>) src(%arg11 : memref<4096xf32, #tpu.memory_space<vmem>>) dst(%dma_wait3A_97 : memref<4096xf32, #tpu.memory_space<hbm>>)
      %dma_wait3A_98 = arith.constant 24 : i32
      %dma_wait3A_99 = arith.constant 0 : i32
      %dma_wait3A_100 = tpu.memref_slice %arg4[%dma_wait3A_98, %add3A_9, %dma_wait3A_99] : memref<26x64x4096xf32, #tpu.memory_space<hbm>> -> memref<1x1x4096xf32, #tpu.memory_space<hbm>>
      %dma_wait3A_101 = tpu.memref_squeeze %dma_wait3A_100 : memref<1x1x4096xf32, #tpu.memory_space<hbm>> -> memref<4096xf32, #tpu.memory_space<hbm>>
      %dma_wait3A_102 = arith.constant 0 : i32
      %dma_wait3A_103 = tpu.memref_slice %arg4[%dma_wait3A_98, %add3A_9, %dma_wait3A_102] : memref<26x64x4096xf32, #tpu.memory_space<hbm>> -> memref<1x1x4096xf32, #tpu.memory_space<hbm>>
      %dma_wait3A_104 = tpu.memref_squeeze %dma_wait3A_103 : memref<1x1x4096xf32, #tpu.memory_space<hbm>> -> memref<4096xf32, #tpu.memory_space<hbm>>
      tpu.wait_dma2 semaphore(%arg14 : memref<!tpu.dma_semaphore, #tpu.memory_space<semaphore_mem>>) src(%arg8 : memref<4096xf32, #tpu.memory_space<vmem>>) dst(%dma_wait3A_104 : memref<4096xf32, #tpu.memory_space<hbm>>)
      %dma_wait3A_105 = arith.constant 25 : i32
      %dma_wait3A_106 = arith.constant 0 : i32
      %dma_wait3A_107 = tpu.memref_slice %arg4[%dma_wait3A_105, %add3A_9, %dma_wait3A_106] : memref<26x64x4096xf32, #tpu.memory_space<hbm>> -> memref<1x1x4096xf32, #tpu.memory_space<hbm>>
      %dma_wait3A_108 = tpu.memref_squeeze %dma_wait3A_107 : memref<1x1x4096xf32, #tpu.memory_space<hbm>> -> memref<4096xf32, #tpu.memory_space<hbm>>
      %dma_wait3A_109 = arith.constant 0 : i32
      %dma_wait3A_110 = tpu.memref_slice %arg4[%dma_wait3A_105, %add3A_9, %dma_wait3A_109] : memref<26x64x4096xf32, #tpu.memory_space<hbm>> -> memref<1x1x4096xf32, #tpu.memory_space<hbm>>
      %dma_wait3A_111 = tpu.memref_squeeze %dma_wait3A_110 : memref<1x1x4096xf32, #tpu.memory_space<hbm>> -> memref<4096xf32, #tpu.memory_space<hbm>>
      tpu.wait_dma2 semaphore(%arg15 : memref<!tpu.dma_semaphore, #tpu.memory_space<semaphore_mem>>) src(%arg9 : memref<4096xf32, #tpu.memory_space<vmem>>) dst(%dma_wait3A_111 : memref<4096xf32, #tpu.memory_space<hbm>>)
    }
    %scan3A_5 = arith.constant 2 : i32
    return
  }
}

</mosaic_0001>

<sc_bundles>
// kernel: kernel.3.cloned.1.call-start
scs
__scs_entry_jumppad:
0x0: {  	(pc) =	sbr.rel $0x88, $3  }
0x1: {  	(tag) =	ssettag $0x0;
	lr =	simm.s32 $0x1  }
0x2: {  	[smem:$0x3F9F] =	sst lr;
	_ =	strace $0xD0000000  }
0x3: {  	_ = 	snop  }
0x4: {  	_ = 	snop  }
0x5: {  	_ = 	snop  }
0x6: {  	_ = 	snop  }
0x7: {  	_ = 	snop  }
__scs_overlays_trampoline_lowered:
0x8: {  	[smem:$0x3FAE] =	sst s0  }
0x9: {  	[smem:$0x3FAF] =	sst s1  }
0xa: {  	[smem:$0x3FB0] =	sst s2  }
0xb: {  	[smem:$0x3FB1] =	sst s3  }
0xc: {  	[smem:$0x3FB2] =	sst s4  }
0xd: {  	[smem:$0x3FB3] =	sst s5  }
0xe: {  	[smem:$0x3FB4] =	sst s6  }
0xf: {  	[smem:$0x3FB5] =	sst s7  }
0x10: {  	[smem:$0x3FB6] =	sst s8  }
0x11: {  	[smem:$0x3FB7] =	sst s9;
	s0 =	simm.s32 @!p0 $0x0  }
0x12: {  	s1 =	sld [smem:$0x3F9D];
	s0 =	simm.s32 @p0 $0x1  }
0x13: {  	[smem:$0x3FB8] =	sst s0;
	s0 =	simm.s32 @!p1 $0x0  }
0x14: {  	s2 =	sld [smem:$0x3F9C];
	s0 =	simm.s32 @p1 $0x1  }
0x15: {  	[smem:$0x3FB9] =	sst s0;
	s0 =	simm.s32 @!p2 $0x0  }
0x16: {  	s3 =	sld [smem:$0x3FDB];
	s0 =	simm.s32 @p2 $0x1  }
0x17: {  	s4 =	simm.s32 $0x1BF5;
	[smem:$0x3FBB] =	sst s0  }
0x18: {  	s0 =	sld [smem:$0x3F9E];
	_ =	swait.ge [sflag:s4], $0x0  }
0x19: {  	s7 =	sld [smem:$0x3F9F]  }
0x1a: {  	s8 =	sadd.s32 $0xFFFFE003, lr  }
0x1b: {  	s9 =	sadd.s32 $0xFFFFFEF7, lr;
	s5 =	simm.s32 $0xFFFFFFFF;
	p2 =	slt.u32 s8, $0xFFFFF086  }
0x1c: {  	p1 =	slt.u32 s9, $0xF7A;
	s5 =	simm.s32 @!p2 $0x0  }
0x1d: {  	s5 =	simm.s32 @p1 $0x1;
	p0 =	seq.s32 s7, s2  }
0x1e: {  	s7 =	smul.u32 @!p0 $0xF7A, s2;
	p2 =	seq.s32 @!p0 s5, $0x0  }
0x1f: {  	s9 =	smul.u32 $0xF7A, s1;
	s8 =	simm.s32 @!p0 $0x1BF5;
	p2 =	por !p2, p0  }
0x20: {  	[sflag:s8] =	ssyncset.s32 @!p0 $0xFFFFF086;
	s6 =	sadd.s32 @!p0 s3, s7;
	s7 =	simm.s32 @!p0 $0x108  }
0x21: {  	s3 =	sadd.s32 s3, s9;
	s6 =	sadd.s32 @!p0 $0x88, s6;
	s7 =	simm.s32 @p2 $0x1082  }
0x22: {  	[simem:s7], [sflag:s8] =	dma.local @!p0 [hbm:s6], $0xF7A  }
0x23: {  	s9 =	sor.u32 $0xD0000000, s2;
	s6 =	simm.s32 $0x108;
	_ =	swait.ge @!p0 [sflag:s8], $0x0  }
0x24: {  	s3 =	sadd.s32 $0x88, s3;
	s6 =	simm.s32 @!p1 $0x1082;
	[sflag:s4] =	ssyncset.s32 $0xFFFFF086  }
0x25: {  	[simem:s6], [sflag:s4] =	dma.local [hbm:s3], $0xF7A  }
0x26: {  	[smem:$0x3F9F] =	sst s1;
	(tag) =	ssettag s2;
	_ =	strace s9  }
0x27: {  	s1 =	sld [smem:$0x3FAF]  }
0x28: {  	s2 =	sld [smem:$0x3FB0]  }
0x29: {  	s4 =	sld [smem:$0x3FB2]  }
0x2a: {  	p0 =	seq.s32 s5, $0x0;
	s5 =	sld [smem:$0x3FB3]  }
0x2b: {  	s6 =	sld [smem:$0x3FB4]  }
0x2c: {  	s7 =	sld [smem:$0x3FB5]  }
0x2d: {  	s3 =	simm.s32 $0x108;
	s8 =	sld [smem:$0x3FB6]  }
0x2e: {  	s3 =	simm.s32 @!p0 $0x1082;
	s9 =	sld [smem:$0x3FB7]  }
0x2f: {  	lr =	sadd.s32 s0, s3;
	s0 =	sld [smem:$0x3FAE]  }
0x30: {  	s3 =	sld [smem:$0x3FB1]  }
0x31: {  	[smem:$0x3FBA] =	sst s10  }
0x32: {  	s10 =	sld [smem:$0x3FB8];
	_ =	sdelay $0x3  }
0x33: {  	p0 =	seq.s32 s10, $0x1;
	s10 =	sld [smem:$0x3FBA];
	_ =	sdelay $0x3  }
0x34: {  	[smem:$0x3FBA] =	sst s10  }
0x35: {  	s10 =	sld [smem:$0x3FB9];
	_ =	sdelay $0x3  }
0x36: {  	p1 =	seq.s32 s10, $0x1;
	s10 =	sld [smem:$0x3FBA];
	_ =	sdelay $0x3  }
0x37: {  	[smem:$0x3FBA] =	sst s10  }
0x38: {  	s10 =	sld [smem:$0x3FBB]  }
0x39: {  	_ = 	snop;
	(pc) =	sbr.ind lr, $3  }
0x3a: {  	_ = 	snop  }
0x3b: {  	_ = 	snop  }
0x3c: {  	p2 =	seq.s32 s10, $0x1;
	s10 =	sld [smem:$0x3FBA]  }
0x3d: {  	_ =	shalt  }
0x3e: {  	_ =	shalt  }
0x3f: {  	_ =	shalt  }
0x40: {  	_ =	shalt  }
0x41: {  	_ =	shalt  }
0x42: {  	_ =	shalt  }
0x43: {  	_ =	shalt  }
0x44: {  	_ =	shalt  }
0x45: {  	_ =	shalt  }
0x46: {  	_ =	shalt  }
0x47: {  	_ =	shalt  }
0x48: {  	_ =	shalt  }
0x49: {  	_ =	shalt  }
0x4a: {  	_ =	shalt  }
0x4b: {  	_ =	shalt  }
0x4c: {  	_ =	shalt  }
0x4d: {  	_ =	shalt  }
0x4e: {  	_ =	shalt  }
0x4f: {  	_ =	shalt  }
0x50: {  	_ =	shalt  }
0x51: {  	_ =	shalt  }
0x52: {  	_ =	shalt  }
0x53: {  	_ =	shalt  }
0x54: {  	_ =	shalt  }
0x55: {  	_ =	shalt  }
0x56: {  	_ =	shalt  }
0x57: {  	_ =	shalt  }
0x58: {  	_ =	shalt  }
0x59: {  	_ =	shalt  }
0x5a: {  	_ =	shalt  }
0x5b: {  	_ =	shalt  }
0x5c: {  	_ =	shalt  }
0x5d: {  	_ =	shalt  }
0x5e: {  	_ =	shalt  }
0x5f: {  	_ =	shalt  }
0x60: {  	_ =	shalt  }
0x61: {  	_ =	shalt  }
0x62: {  	_ =	shalt  }
0x63: {  	_ =	shalt  }
0x64: {  	_ =	shalt  }
0x65: {  	_ =	shalt  }
0x66: {  	_ =	shalt  }
0x67: {  	_ =	shalt  }
0x68: {  	_ =	shalt  }
0x69: {  	_ =	shalt  }
0x6a: {  	_ =	shalt  }
0x6b: {  	_ =	shalt  }
0x6c: {  	_ =	shalt  }
0x6d: {  	_ =	shalt  }
0x6e: {  	_ =	shalt  }
0x6f: {  	_ =	shalt  }
0x70: {  	_ =	shalt  }
0x71: {  	_ =	shalt  }
0x72: {  	_ =	shalt  }
0x73: {  	_ =	shalt  }
0x74: {  	_ =	shalt  }
0x75: {  	_ =	shalt  }
0x76: {  	_ =	shalt  }
0x77: {  	_ =	shalt  }
0x78: {  	_ =	shalt  }
0x79: {  	_ =	shalt  }
0x7a: {  	_ =	shalt  }
0x7b: {  	_ =	shalt  }
0x7c: {  	_ =	shalt  }
0x7d: {  	_ =	shalt  }
0x7e: {  	_ =	shalt  }
0x7f: {  	_ =	shalt  }
0x80: {  	_ =	shalt  }
0x81: {  	_ =	shalt  }
0x82: {  	_ =	shalt  }
0x83: {  	_ =	shalt  }
0x84: {  	_ =	shalt  }
0x85: {  	_ =	shalt  }
0x86: {  	_ =	shalt  }
0x87: {  	_ =	shalt  }
.Lfunc_end0:
.L_simem_size_0:
called_computation_lowered:
.L_overlay_start_0:
0x88: {  	s2 =	sld [smem:$0x3FD9]  }
0x89: {  	s3 =	sld [smem:$0x3FFE];
	_ =	sdelay $0x1  }
0x8a: {  	s1 =	srdreg.scid  }
0x8b: {  	s0 =	sand.u32 $0x1, s1  }
0x8c: {  	s18 =	sshll.u32 s0, $0xA;
	s2 =	sadd.s32 s3, s2  }
0x8d: {  	s2 =	sadd.s32 s2, s18  }
0x8e: {  	[smem:$0x3FC6] =	sst s2  }
0x8f: {  	_ = 	snop  }
0x90: {  	s2 =	sld [smem:$0x3FC9]  }
0x91: {  	s19 =	sld [smem:$0x3FC8]  }
0x92: {  	s4 =	sld [smem:$0x3FD0];
	(tm) =	ssettm $0x1  }
0x93: {  	s5 =	sld [smem:$0x3FFB];
	_ =	sdelay $0x3  }
0x94: {  	_ =	strace s5  }
0x95: {  	s5 =	sld [smem:$0x3FFC];
	_ =	sdelay $0x3  }
0x96: {  	_ =	strace s5  }
0x97: {  	s5 =	sld [smem:$0x3FFD];
	_ =	sdelay $0x3  }
0x98: {  	_ =	strace s5  }
0x99: {  	_ =	strace $0x8FFFFFFF  }
0x9a: {  	s20 =	sld [smem:$0x3FDB];
	_ =	sdelay $0x1  }
0x9b: {  	s6 =	simm.s32 $_scs_section_size  }
0x9c: {  	s7 =	simm.s32 $_size__tile_overlayer_lowered;
	s8 =	simm.s32 $_tile_overlayer_lowered  }
0x9d: {  	s23 =	simm.s32 $0x1BFF;
	s22 =	sshll.u32 s8, $0x1;
	s5 =	sadd.s32 s6, s20  }
0x9e: {  	s9 =	simm.s32 $0x0;
	s21 =	sshll.u32 s7, $0x1;
	s7 =	sadd.s32 s22, s5  }
0x9f: {  	[timem:s9], [sflag:s23] =	dma.local [hbm:s7], s21  }
0xa0: {  	_ =	swait.ge [sflag:s23], s21  }
0xa1: {  	s6 =	ssub.s32 $0x0, s21;
	[sflag:s23] =	ssyncset.done $0x0  }
0xa2: {  	[sflag:s23] =	ssyncadd.s32 s6;
	_ =	sdelay $0x1  }
0xa3: {  	s24 =	simm.s32 $0x1B8B  }
0xa4: {  	_ =	swait.ge [sflag:s24], $0x1  }
0xa5: {  	[sflag:s24] =	ssyncset.done $0x0  }
0xa6: {  	s25 =	simm.s32 $0x1B8E;
	[sflag:s24] =	ssyncadd.s32 $0xFFFFFFFF  }
0xa7: {  	s26 =	simm.s32 $execute0_lowered;
	[smem:$0x3FD2] =	sst s25  }
0xa8: {  	s6 =	sshll.u32 s26, $0x1;
	_ =	strace $0x80000046;
	[dreg:$0x1] =	wrdreg $0xFFFFFFFF  }
0xa9: {  	s28 =	simm.s32 $_size_execute0_lowered;
	s5 =	sadd.s32 s5, s6;
	[dreg:$0x0] =	wrdreg $0x0  }
0xaa: {  	s6 =	sshll.u32 s28, $0x1;
	[dreg:$0x2] =	wrdreg s5  }
0xab: {  	[dreg:$0x3] =	wrdreg s6  }
0xac: {  	[dreg:$0x4] =	wrdreg $0xC0  }
0xad: {  	_ =	task [dreg:s9], $0x5FFFF  }
0xae: {  	[dreg:$0x1] =	wrdreg $0xFFFFFFFF  }
0xaf: {  	[dreg:$0x0] =	wrdreg $0x60  }
0xb0: {  	[dreg:$0x2] =	wrdreg s2  }
0xb1: {  	[dreg:$0x3] =	wrdreg s19  }
0xb2: {  	[dreg:$0x4] =	wrdreg s4  }
0xb3: {  	[dreg:$0x5] =	wrdreg $0x1E7000  }
0xb4: {  	[dreg:$0x6] =	wrdreg $0x9  }
0xb5: {  	_ =	task.clear_ibuf [dreg:s9], $0x7FFFF;
	_ =	strace $0x90000046  }
0xb6: {  	s29 =	simm.s32 $0x9;
	_ =	strace $0x80000048  }
0xb7: {  	_ =	swait.ge [sflag:s29], $0x1  }
0xb8: {  	[sflag:s29] =	ssyncadd.s32 $0xFFFFFFFF  }
0xb9: {  	_ =	strace $0x90000048  }
0xba: {  	_ =	sfence  }
0xbb: {  	s30 =	sld [smem:$0x0];
	_ =	sdelay $0x2  }
0xbc: {  	s31 =	sshll.u32 s1, $0xD;
	s1 =	sshrl.u32 s1, $0x2  }
0xbd: {  	s3 =	sand.u32 $0x4000, s31;
	s1 =	sadd.s32 s1, s30  }
0xbe: {  	s0 =	sor.u32 s3, s0;
	s1 =	sshll.u32 s1, $0x11  }
0xbf: {  	s0 =	sor.u32 s1, s0  }
0xc0: {  	s0 =	sadd.s32 $0x8F2B, s0  }
0xc1: {  	[sflag:s0] =	ssyncadd.remote.s32 $0x1  }
0xc2: {  	_ =	sfence.sel $0xFFFF  }
0xc3: {  	[dreg:$0x0] =	wrdreg $0xFFFFFFFF;
	(pc) =	sbr.abs _section_cstart, $3  }
0xc4: {  	[dreg:$0x1] =	wrdreg $0xFFFFFFFF  }
0xc5: {  	_ =	task.clear_ibuf [dreg:s9], $0x2FFFF;
	_ =	strace $0x9FFFFFFF  }
0xc6: {  	(tm) =	ssettm $0x7FFFFFFF  }
0xc7: {  	_ =	shalt  }
tec
execute0_lowered:
.L_overlay_start_1:
0x0: {  	(tag) =	ssettag $0x1  }
0x1: {  	s7 =	rddreg [dreg:$0x0]  }
0x2: {  	s3 =	rddreg [dreg:$0x2]  }
0x3: {  	s5 =	rddreg [dreg:$0x3];
	s0 =	srdreg.scid  }
0x4: {  	s4 =	stileid.u32;
	s6 =	simm.s32 $0x0;
	s12 =	simm.s32 $0x80  }
0x5: {  	s13 =	simm.s32 $0x400;
	s14 =	simm.s32 $0x8;
	s15 =	simm.s32 $0x18700  }
0x6: {  	s16 =	simm.s32 $0x1;
	s17 =	simm.s32 $0x19700;
	s18 =	simm.s32 $0x1A700  }
0x7: {  	s19 =	simm.s32 $0x2;
	s20 =	simm.s32 $0x1B700;
	s21 =	simm.s32 $0x1C700  }
0x8: {  	s22 =	simm.s32 $0x6;
	s23 =	simm.s32 $0x1D700;
	s24 =	simm.s32 $0x3  }
0x9: {  	s25 =	simm.s32 $0x4;
	s26 =	simm.s32 $0x5;
	s0 =	sand.u32 $0x1, s0  }
0xa: {  	s2 =	sshll.u32 s4, $0x1;
	[smem:$0x7FF] =	sst s6;
	s1 =	ssub.s32 $0x2, s0  }
0xb: {  	s9 =	sadd.s32 $0x3000, s7;
	s10 =	sadd.s32 $0x3010, s7;
	s30 =	sshrl.u32 s1, $0x1  }
0xc: {  	[dreg:$0x5] =	wrdreg s2;
	s0 =	sor.u32 s0, s2;
	s1 =	ssub.s32 s1, s30  }
0xd: {  	_ =	strace $0x80000047;
	s0 =	sshll.u32 s0, $0x7;
	s31 =	smax.u32 s1, $0x1  }
0xe: {  	s8 =	sand.u32 $0x380, s0;
	s1 =	simm.s32 $0x0;
	[dreg:$0x6] =	wrdreg s31  }
.LBB2_1:
0xf: {  	[dreg:$0x7] =	wrdreg s1;
	p1 =	por $0x1, $0x1;
	s0 =	simm.s32 $0x0  }
.LBB2_2:
0x10: {  	s1 =	sshll.u32 s0, $0x5;
	s11 =	sor.u32 s4, s0;
	s2 =	rddreg [dreg:$0x5]  }
0x11: {  	s1 =	sor.u32 s2, s1;
	p0 =	sne.s32 s11, $0x0  }
0x12: {  	s11 =	rddreg [dreg:$0x0];
	s0 =	sshll.u32 @!p0 s4, $0x6;
	s1 =	sshrl.u32 s1, $0x3  }
0x13: {  	s2 =	sshrl.u32 @!p0 s5, $0x3;
	s0 =	sor.u32 @!p0 $0x1C07, s0;
	s7 =	smul.u32 $0xC3800, s1  }
0x14: {  	[spmem:s2], [sflag:s0] =	dma.local @!p0 [hbm:s11], $0x3000  }
0x15: {  	s28 =	sor.u32 s8, s7  }
0x16: {  	s2 =	rddreg [dreg:$0x1];
	s0 =	sshrl.u32 s28, $0x3  }
0x17: {  	s0 =	sadd.s32 s2, s0  }
0x18: {  	[tilespmem:s6], [sflag:$0x8] =	stream.strided.gather [hbm4b:s0+s12], $0x18700, s13, s12, $0x38;
	[tilespmem:$0x1FF00] =	vst v63  }
0x19: {  	p0 =	por p1, p1;
	p1 =	sne.s32 @p1 s4, $0x0;
	_ =	swait.ge [sflag:s14], $0x18700  }
0x1a: {  	p1 =	por p1, !p0;
	[sflag:s14] =	ssyncset.done $0x0  }
0x1b: {  	s0 =	simm.s32 @!p1 $0x7;
	[sflag:s14] =	ssyncadd.s32 $0xFFFE7900  }
0x1c: {  	_ =	swait.ge @!p1 [sflag:s0], $0x3000  }
0x1d: {  	[sflag:s0] =	ssyncset.done @!p1 $0x0  }
0x1e: {  	s31 =	sshll.u32 s1, $0xF;
	[sflag:s0] =	ssyncadd.s32 @!p1 $0xFFFFD000  }
0x1f: {  	s30 =	simm.s32 $0x0;
	s29 =	sor.u32 s8, s31;
	[bflag:$0x0] =	sbarrier.arrive @p0 $0xFFFF  }
0x20: {  	[tilespmem:s15], [sflag:$0x1] =	stream.strided.gather [spmem:s5], $0x1000, s13, s12, $0x38;
	[tilespmem:$0x1FF00] =	vst v63  }
.LBB2_3:
0x21: {  	s31 =	sshll.u32 s30, $0x2  }
0x22: {  	s1 =	sshll.u32 s30, $0xE;
	s0 =	sor.u32 $0x1, s31  }
0x23: {  	_ =	swait.ge [sflag:s16], $0x1000;
	s1 =	sand.u32 $0x18000, s1;
	s2 =	sshll.u32 s0, $0x7  }
0x24: {  	[sflag:s16] =	ssyncset.done $0x0;
	s11 =	sadd.s32 s1, s5;
	s2 =	sand.u32 $0x280, s2  }
0x25: {  	p1 =	seq.s32 s30, $0x0;
	[sflag:s16] =	ssyncadd.s32 $0xFFFFF000;
	s1 =	sadd.s32 s2, s11  }
0x26: {  	[tilespmem:s17], [sflag:$0x2] =	stream.strided.gather [spmem:s1], $0x1000, s13, s12, $0x38;
	[tilespmem:$0x1FF00] =	vst v63  }
0x27: {  	s1 =	simm.s32 @!p1 $0x3  }
0x28: {  	_ =	swait.ge @!p1 [sflag:s1], $0x1000  }
0x29: {  	[sflag:s1] =	ssyncset.done @!p1 $0x0  }
0x2a: {  	s7 =	simm.s32 $0x18740;
	[sflag:s1] =	ssyncadd.s32 @!p1 $0xFFFFF000  }
0x2b: {  	v0 =	vld [tilespmem:s7+$0x30]  }
0x2c: {  	v1 =	vld [tilespmem:s7+$0xFFFFFFD0]  }
0x2d: {  	v2 =	vld [tilespmem:s7+$0xFFFFFFE0]  }
0x2e: {  	v3 =	vld [tilespmem:s7+$0xFFFFFFF0]  }
0x2f: {  	v6 =	vld [tilespmem:s7+$0x0]  }
0x30: {  	v7 =	vld [tilespmem:s7+$0x10]  }
0x31: {  	v8 =	vld [tilespmem:s7+$0x20]  }
0x32: {  	v9 =	vld [tilespmem:s7+$0xFFFFFFC0]  }
0x33: {  	v10 =	vld.idx.msk [tilespmem:v0+s6+$0x0], $0xffff  }
0x34: {  	v11 =	vld.idx.msk [tilespmem:v1+s6+$0x0], $0xffff  }
0x35: {  	v5 =	vld.idx.msk [tilespmem:v2+s6+$0x0], $0xffff  }
0x36: {  	v4 =	vld.idx.msk [tilespmem:v3+s6+$0x0], $0xffff  }
0x37: {  	v3 =	vld.idx.msk [tilespmem:v6+s6+$0x0], $0xffff  }
0x38: {  	s28 =	simm.s32 $0x1A740;
	v1 =	vld.idx.msk [tilespmem:v7+s6+$0x0], $0xffff  }
0x39: {  	v0 =	vld.idx.msk [tilespmem:v8+s6+$0x0], $0xffff;
	[tilespmem:s28+$0x30] =	vst v10  }
0x3a: {  	s2 =	simm.s32 $0x0;
	s1 =	simm.s32 $0x187C0;
	v2 =	vld.idx.msk [tilespmem:v9+s6+$0x0], $0xffff;
	[tilespmem:s28+$0xFFFFFFD0] =	vst v11  }
.LBB2_4:
0x3b: {  	v6 =	vld [tilespmem:s1+$0x30];
	s2 =	sadd.s32 $0x8, s2;
	[tilespmem:s28+$0xFFFFFFE0] =	vst v5  }
0x3c: {  	v5 =	vld [tilespmem:s1+$0xFFFFFFD0];
	p2 =	slt.u32 s2, $0xF8;
	[tilespmem:s28+$0xFFFFFFF0] =	vst v4  }
0x3d: {  	v4 =	vld [tilespmem:s1+$0xFFFFFFE0];
	[tilespmem:s28+$0x0] =	vst v3  }
0x3e: {  	v3 =	vld [tilespmem:s1+$0xFFFFFFF0];
	[tilespmem:s28+$0x10] =	vst v1  }
0x3f: {  	v1 =	vld [tilespmem:s1+$0x0];
	[tilespmem:s28+$0x20] =	vst v0  }
0x40: {  	v0 =	vld [tilespmem:s1+$0x10];
	[tilespmem:s28+$0xFFFFFFC0] =	vst v2  }
0x41: {  	v2 =	vld [tilespmem:s1+$0x20]  }
0x42: {  	v7 =	vld [tilespmem:s1+$0xFFFFFFC0]  }
0x43: {  	v6 =	vld.idx.msk [tilespmem:v6+s6+$0x0], $0xffff  }
0x44: {  	v8 =	vld.idx.msk [tilespmem:v5+s6+$0x0], $0xffff  }
0x45: {  	v5 =	vld.idx.msk [tilespmem:v4+s6+$0x0], $0xffff  }
.Ltmp0:
0x46: {  	v4 =	vld.idx.msk [tilespmem:v3+s6+$0x0], $0xffff;
	(pc) =	sbr.rel @p2 .LBB2_4-.Ltmp0, $4  }
0x47: {  	v3 =	vld.idx.msk [tilespmem:v1+s6+$0x0], $0xffff  }
0x48: {  	s28 =	sadd.s32 $0x80, s28;
	v1 =	vld.idx.msk [tilespmem:v0+s6+$0x0], $0xffff  }
0x49: {  	v0 =	vld.idx.msk [tilespmem:v2+s6+$0x0], $0xffff;
	[tilespmem:s28+$0x30] =	vst v6  }
0x4a: {  	s1 =	sadd.s32 $0x80, s1;
	v2 =	vld.idx.msk [tilespmem:v7+s6+$0x0], $0xffff;
	[tilespmem:s28+$0xFFFFFFD0] =	vst v8  }
0x4b: {  	[tilespmem:s28+$0xFFFFFFE0] =	vst v5  }
0x4c: {  	[tilespmem:s28+$0xFFFFFFF0] =	vst v4  }
0x4d: {  	s1 =	sshll.u32 s30, $0x14;
	[tilespmem:s28+$0x0] =	vst v3  }
0x4e: {  	s1 =	sadd.s32 s29, s1;
	[tilespmem:s28+$0x10] =	vst v1  }
0x4f: {  	s1 =	sshrl.u32 s1, $0x3;
	[tilespmem:s28+$0x20] =	vst v0  }
0x50: {  	s1 =	sadd.s32 s3, s1;
	[tilespmem:s28+$0xFFFFFFC0] =	vst v2;
	s28 =	sor.u32 $0x2, s31  }
0x51: {  	[hbm4b:s1+s12] =	stream.strided.scatter [tilespmem:s18], [sflag:$0x3], $0x1000, s13, s12, $0x38;
	[tilespmem:$0x1FF00] =	vst v63  }
0x52: {  	s2 =	sshll.u32 s28, $0x7;
	_ =	swait.ge [sflag:s19], $0x1000  }
0x53: {  	s1 =	sand.u32 $0x300, s2;
	[sflag:s19] =	ssyncset.done $0x0  }
0x54: {  	s1 =	sadd.s32 s1, s11;
	[sflag:s19] =	ssyncadd.s32 $0xFFFFF000  }
0x55: {  	[tilespmem:s15], [sflag:$0x1] =	stream.strided.gather [spmem:s1], $0x1000, s13, s12, $0x38;
	[tilespmem:$0x1FF00] =	vst v63  }
0x56: {  	s1 =	simm.s32 @!p1 $0x4  }
0x57: {  	_ =	swait.ge @!p1 [sflag:s1], $0x1000  }
0x58: {  	[sflag:s1] =	ssyncset.done @!p1 $0x0  }
0x59: {  	s7 =	simm.s32 $0x19740;
	[sflag:s1] =	ssyncadd.s32 @!p1 $0xFFFFF000  }
0x5a: {  	v0 =	vld [tilespmem:s7+$0x30]  }
0x5b: {  	v1 =	vld [tilespmem:s7+$0xFFFFFFD0]  }
0x5c: {  	v2 =	vld [tilespmem:s7+$0xFFFFFFE0]  }
0x5d: {  	v3 =	vld [tilespmem:s7+$0xFFFFFFF0]  }
0x5e: {  	v6 =	vld [tilespmem:s7+$0x0]  }
0x5f: {  	v7 =	vld [tilespmem:s7+$0x10]  }
0x60: {  	v8 =	vld [tilespmem:s7+$0x20]  }
0x61: {  	v9 =	vld [tilespmem:s7+$0xFFFFFFC0]  }
0x62: {  	v10 =	vld.idx.msk [tilespmem:v0+s6+$0x0], $0xffff  }
0x63: {  	v11 =	vld.idx.msk [tilespmem:v1+s6+$0x0], $0xffff  }
0x64: {  	v5 =	vld.idx.msk [tilespmem:v2+s6+$0x0], $0xffff  }
0x65: {  	v4 =	vld.idx.msk [tilespmem:v3+s6+$0x0], $0xffff  }
0x66: {  	v3 =	vld.idx.msk [tilespmem:v6+s6+$0x0], $0xffff  }
0x67: {  	s2 =	simm.s32 $0x1B740;
	v1 =	vld.idx.msk [tilespmem:v7+s6+$0x0], $0xffff  }
0x68: {  	v0 =	vld.idx.msk [tilespmem:v8+s6+$0x0], $0xffff;
	[tilespmem:s2+$0x30] =	vst v10  }
0x69: {  	s1 =	simm.s32 $0x0;
	s7 =	simm.s32 $0x197C0;
	v2 =	vld.idx.msk [tilespmem:v9+s6+$0x0], $0xffff;
	[tilespmem:s2+$0xFFFFFFD0] =	vst v11  }
.LBB2_6:
0x6a: {  	v6 =	vld [tilespmem:s7+$0x30];
	s1 =	sadd.s32 $0x8, s1;
	[tilespmem:s2+$0xFFFFFFE0] =	vst v5  }
0x6b: {  	v5 =	vld [tilespmem:s7+$0xFFFFFFD0];
	p2 =	slt.u32 s1, $0xF8;
	[tilespmem:s2+$0xFFFFFFF0] =	vst v4  }
0x6c: {  	v4 =	vld [tilespmem:s7+$0xFFFFFFE0];
	[tilespmem:s2+$0x0] =	vst v3  }
0x6d: {  	v3 =	vld [tilespmem:s7+$0xFFFFFFF0];
	[tilespmem:s2+$0x10] =	vst v1  }
0x6e: {  	v1 =	vld [tilespmem:s7+$0x0];
	[tilespmem:s2+$0x20] =	vst v0  }
0x6f: {  	v0 =	vld [tilespmem:s7+$0x10];
	[tilespmem:s2+$0xFFFFFFC0] =	vst v2  }
0x70: {  	v2 =	vld [tilespmem:s7+$0x20]  }
0x71: {  	v7 =	vld [tilespmem:s7+$0xFFFFFFC0]  }
0x72: {  	v6 =	vld.idx.msk [tilespmem:v6+s6+$0x0], $0xffff  }
0x73: {  	v8 =	vld.idx.msk [tilespmem:v5+s6+$0x0], $0xffff  }
0x74: {  	v5 =	vld.idx.msk [tilespmem:v4+s6+$0x0], $0xffff  }
.Ltmp1:
0x75: {  	v4 =	vld.idx.msk [tilespmem:v3+s6+$0x0], $0xffff;
	(pc) =	sbr.rel @p2 .LBB2_6-.Ltmp1, $4  }
0x76: {  	v3 =	vld.idx.msk [tilespmem:v1+s6+$0x0], $0xffff  }
0x77: {  	s2 =	sadd.s32 $0x80, s2;
	v1 =	vld.idx.msk [tilespmem:v0+s6+$0x0], $0xffff  }
0x78: {  	v0 =	vld.idx.msk [tilespmem:v2+s6+$0x0], $0xffff;
	[tilespmem:s2+$0x30] =	vst v6  }
0x79: {  	s7 =	sadd.s32 $0x80, s7;
	v2 =	vld.idx.msk [tilespmem:v7+s6+$0x0], $0xffff;
	[tilespmem:s2+$0xFFFFFFD0] =	vst v8  }
0x7a: {  	[tilespmem:s2+$0xFFFFFFE0] =	vst v5  }
0x7b: {  	[tilespmem:s2+$0xFFFFFFF0] =	vst v4  }
0x7c: {  	s0 =	sshll.u32 s0, $0x12;
	[tilespmem:s2+$0x0] =	vst v3  }
0x7d: {  	s0 =	sadd.s32 s29, s0;
	[tilespmem:s2+$0x10] =	vst v1  }
0x7e: {  	s0 =	sshrl.u32 s0, $0x3;
	[tilespmem:s2+$0x20] =	vst v0  }
0x7f: {  	s0 =	sadd.s32 s3, s0;
	[tilespmem:s2+$0xFFFFFFC0] =	vst v2  }
0x80: {  	[hbm4b:s0+s12] =	stream.strided.scatter [tilespmem:s20], [sflag:$0x4], $0x1000, s13, s12, $0x38;
	[tilespmem:$0x1FF00] =	vst v63  }
0x81: {  	s0 =	sor.u32 $0x3, s31  }
0x82: {  	_ =	swait.ge [sflag:s16], $0x1000;
	s1 =	sshll.u32 s0, $0x7  }
0x83: {  	[sflag:s16] =	ssyncset.done $0x0;
	s1 =	sand.u32 $0x380, s1  }
0x84: {  	[sflag:s16] =	ssyncadd.s32 $0xFFFFF000;
	s1 =	sadd.s32 s1, s11  }
0x85: {  	[tilespmem:s17], [sflag:$0x2] =	stream.strided.gather [spmem:s1], $0x1000, s13, s12, $0x38;
	[tilespmem:$0x1FF00] =	vst v63  }
0x86: {  	s1 =	simm.s32 @!p1 $0x5  }
0x87: {  	_ =	swait.ge @!p1 [sflag:s1], $0x1000  }
0x88: {  	[sflag:s1] =	ssyncset.done @!p1 $0x0  }
0x89: {  	s11 =	simm.s32 $0x18740;
	[sflag:s1] =	ssyncadd.s32 @!p1 $0xFFFFF000  }
0x8a: {  	v0 =	vld [tilespmem:s11+$0x30]  }
0x8b: {  	v1 =	vld [tilespmem:s11+$0xFFFFFFD0]  }
0x8c: {  	v2 =	vld [tilespmem:s11+$0xFFFFFFE0]  }
0x8d: {  	v3 =	vld [tilespmem:s11+$0xFFFFFFF0]  }
0x8e: {  	v6 =	vld [tilespmem:s11+$0x0]  }
0x8f: {  	v7 =	vld [tilespmem:s11+$0x10]  }
0x90: {  	v8 =	vld [tilespmem:s11+$0x20]  }
0x91: {  	v9 =	vld [tilespmem:s11+$0xFFFFFFC0]  }
0x92: {  	v10 =	vld.idx.msk [tilespmem:v0+s6+$0x0], $0xffff  }
0x93: {  	v11 =	vld.idx.msk [tilespmem:v1+s6+$0x0], $0xffff  }
0x94: {  	v5 =	vld.idx.msk [tilespmem:v2+s6+$0x0], $0xffff  }
0x95: {  	v4 =	vld.idx.msk [tilespmem:v3+s6+$0x0], $0xffff  }
0x96: {  	v3 =	vld.idx.msk [tilespmem:v6+s6+$0x0], $0xffff  }
0x97: {  	s2 =	simm.s32 $0x1C740;
	v1 =	vld.idx.msk [tilespmem:v7+s6+$0x0], $0xffff  }
0x98: {  	v0 =	vld.idx.msk [tilespmem:v8+s6+$0x0], $0xffff;
	[tilespmem:s2+$0x30] =	vst v10  }
0x99: {  	s7 =	simm.s32 $0x187C0;
	s1 =	simm.s32 $0x0;
	v2 =	vld.idx.msk [tilespmem:v9+s6+$0x0], $0xffff;
	[tilespmem:s2+$0xFFFFFFD0] =	vst v11  }
.LBB2_8:
0x9a: {  	v6 =	vld [tilespmem:s7+$0x30];
	s1 =	sadd.s32 $0x8, s1;
	[tilespmem:s2+$0xFFFFFFE0] =	vst v5  }
0x9b: {  	v5 =	vld [tilespmem:s7+$0xFFFFFFD0];
	p2 =	slt.u32 s1, $0xF8;
	[tilespmem:s2+$0xFFFFFFF0] =	vst v4  }
0x9c: {  	v4 =	vld [tilespmem:s7+$0xFFFFFFE0];
	[tilespmem:s2+$0x0] =	vst v3  }
0x9d: {  	v3 =	vld [tilespmem:s7+$0xFFFFFFF0];
	[tilespmem:s2+$0x10] =	vst v1  }
0x9e: {  	v1 =	vld [tilespmem:s7+$0x0];
	[tilespmem:s2+$0x20] =	vst v0  }
0x9f: {  	v0 =	vld [tilespmem:s7+$0x10];
	[tilespmem:s2+$0xFFFFFFC0] =	vst v2  }
0xa0: {  	v2 =	vld [tilespmem:s7+$0x20]  }
0xa1: {  	v7 =	vld [tilespmem:s7+$0xFFFFFFC0]  }
0xa2: {  	v6 =	vld.idx.msk [tilespmem:v6+s6+$0x0], $0xffff  }
0xa3: {  	v8 =	vld.idx.msk [tilespmem:v5+s6+$0x0], $0xffff  }
0xa4: {  	v5 =	vld.idx.msk [tilespmem:v4+s6+$0x0], $0xffff  }
.Ltmp2:
0xa5: {  	v4 =	vld.idx.msk [tilespmem:v3+s6+$0x0], $0xffff;
	(pc) =	sbr.rel @p2 .LBB2_8-.Ltmp2, $4  }
0xa6: {  	v3 =	vld.idx.msk [tilespmem:v1+s6+$0x0], $0xffff  }
0xa7: {  	s2 =	sadd.s32 $0x80, s2;
	v1 =	vld.idx.msk [tilespmem:v0+s6+$0x0], $0xffff  }
0xa8: {  	v0 =	vld.idx.msk [tilespmem:v2+s6+$0x0], $0xffff;
	[tilespmem:s2+$0x30] =	vst v6  }
0xa9: {  	s7 =	sadd.s32 $0x80, s7;
	v2 =	vld.idx.msk [tilespmem:v7+s6+$0x0], $0xffff;
	[tilespmem:s2+$0xFFFFFFD0] =	vst v8  }
0xaa: {  	[tilespmem:s2+$0xFFFFFFE0] =	vst v5  }
0xab: {  	[tilespmem:s2+$0xFFFFFFF0] =	vst v4  }
0xac: {  	s1 =	sshll.u32 s28, $0x12;
	[tilespmem:s2+$0x0] =	vst v3  }
0xad: {  	s1 =	sadd.s32 s29, s1;
	[tilespmem:s2+$0x10] =	vst v1  }
0xae: {  	p2 =	seq.s32 s30, $0x5;
	s1 =	sshrl.u32 s1, $0x3;
	[tilespmem:s2+$0x20] =	vst v0  }
.Ltmp3:
0xaf: {  	s1 =	sadd.s32 s3, s1;
	[tilespmem:s2+$0xFFFFFFC0] =	vst v2;
	(pc) =	sbr.rel @!p2 .LBB2_10-.Ltmp3, $4  }
0xb0: {  	[hbm4b:s1+s12] =	stream.strided.scatter [tilespmem:s21], [sflag:$0x5], $0x1000, s13, s12, $0x38;
	[tilespmem:$0x1FF00] =	vst v63  }
0xb1: {  	_ =	swait.ge [sflag:s19], $0x1000  }
0xb2: {  	[sflag:s19] =	ssyncset.done $0x0  }
0xb3: {  	[sflag:s19] =	ssyncadd.s32 $0xFFFFF000  }
.Ltmp4:
0xb4: {  	(pc) =	sbr.rel .LBB2_12-.Ltmp4, $2  }
0xb5: {  	_ =	sdelay $0x2  }
0xb6: {  	[tilespmem:s15], [sflag:$0x1] =	stream.strided.gather [hbm4b:s9+s12], $0x1000, s13, s12, $0x38;
	[tilespmem:$0x1FF00] =	vst v63  }
.LBB2_10:
0xb7: {  	s1 =	sadd.s32 $0x4, s31  }
.Ltmp5:
0xb8: {  	s2 =	sshll.u32 s1, $0xC;
	(pc) =	sbr.rel @p1 .LBB2_13-.Ltmp5, $4  }
0xb9: {  	s1 =	sshll.u32 s1, $0x7;
	s2 =	sand.u32 $0x38000, s2  }
0xba: {  	s1 =	sand.u32 $0x200, s1;
	s2 =	sadd.s32 s2, s5  }
0xbb: {  	s1 =	sadd.s32 s1, s2  }
0xbc: {  	[tilespmem:s15], [sflag:$0x1] =	stream.strided.gather [spmem:s1], $0x1000, s13, s12, $0x38;
	[tilespmem:$0x1FF00] =	vst v63  }
.LBB2_12:
0xbd: {  	_ =	swait.ge [sflag:s22], $0x1000  }
0xbe: {  	[sflag:s22] =	ssyncset.done $0x0  }
0xbf: {  	[sflag:s22] =	ssyncadd.s32 $0xFFFFF000  }
.LBB2_13:
0xc0: {  	s1 =	simm.s32 $0x19740  }
0xc1: {  	v0 =	vld [tilespmem:s1+$0x30]  }
0xc2: {  	v1 =	vld [tilespmem:s1+$0xFFFFFFD0]  }
0xc3: {  	v2 =	vld [tilespmem:s1+$0xFFFFFFE0]  }
0xc4: {  	v3 =	vld [tilespmem:s1+$0xFFFFFFF0]  }
0xc5: {  	v6 =	vld [tilespmem:s1+$0x0]  }
0xc6: {  	v7 =	vld [tilespmem:s1+$0x10]  }
0xc7: {  	v8 =	vld [tilespmem:s1+$0x20]  }
0xc8: {  	v9 =	vld [tilespmem:s1+$0xFFFFFFC0]  }
0xc9: {  	v10 =	vld.idx.msk [tilespmem:v0+s6+$0x0], $0xffff  }
0xca: {  	v11 =	vld.idx.msk [tilespmem:v1+s6+$0x0], $0xffff  }
0xcb: {  	v5 =	vld.idx.msk [tilespmem:v2+s6+$0x0], $0xffff  }
0xcc: {  	v4 =	vld.idx.msk [tilespmem:v3+s6+$0x0], $0xffff  }
0xcd: {  	v3 =	vld.idx.msk [tilespmem:v6+s6+$0x0], $0xffff  }
0xce: {  	s2 =	simm.s32 $0x1D740;
	v1 =	vld.idx.msk [tilespmem:v7+s6+$0x0], $0xffff  }
0xcf: {  	v0 =	vld.idx.msk [tilespmem:v8+s6+$0x0], $0xffff;
	[tilespmem:s2+$0x30] =	vst v10  }
0xd0: {  	s7 =	simm.s32 $0x197C0;
	s1 =	simm.s32 $0x0;
	v2 =	vld.idx.msk [tilespmem:v9+s6+$0x0], $0xffff;
	[tilespmem:s2+$0xFFFFFFD0] =	vst v11  }
.LBB2_14:
0xd1: {  	v6 =	vld [tilespmem:s7+$0x30];
	s1 =	sadd.s32 $0x8, s1;
	[tilespmem:s2+$0xFFFFFFE0] =	vst v5  }
0xd2: {  	v5 =	vld [tilespmem:s7+$0xFFFFFFD0];
	p1 =	slt.u32 s1, $0xF8;
	[tilespmem:s2+$0xFFFFFFF0] =	vst v4  }
0xd3: {  	v4 =	vld [tilespmem:s7+$0xFFFFFFE0];
	[tilespmem:s2+$0x0] =	vst v3  }
0xd4: {  	v3 =	vld [tilespmem:s7+$0xFFFFFFF0];
	[tilespmem:s2+$0x10] =	vst v1  }
0xd5: {  	v1 =	vld [tilespmem:s7+$0x0];
	[tilespmem:s2+$0x20] =	vst v0  }
0xd6: {  	v0 =	vld [tilespmem:s7+$0x10];
	[tilespmem:s2+$0xFFFFFFC0] =	vst v2  }
0xd7: {  	v2 =	vld [tilespmem:s7+$0x20]  }
0xd8: {  	v7 =	vld [tilespmem:s7+$0xFFFFFFC0]  }
0xd9: {  	v6 =	vld.idx.msk [tilespmem:v6+s6+$0x0], $0xffff  }
0xda: {  	v8 =	vld.idx.msk [tilespmem:v5+s6+$0x0], $0xffff  }
0xdb: {  	v5 =	vld.idx.msk [tilespmem:v4+s6+$0x0], $0xffff  }
.Ltmp6:
0xdc: {  	v4 =	vld.idx.msk [tilespmem:v3+s6+$0x0], $0xffff;
	(pc) =	sbr.rel @p1 .LBB2_14-.Ltmp6, $4  }
0xdd: {  	v3 =	vld.idx.msk [tilespmem:v1+s6+$0x0], $0xffff  }
0xde: {  	s2 =	sadd.s32 $0x80, s2;
	v1 =	vld.idx.msk [tilespmem:v0+s6+$0x0], $0xffff  }
0xdf: {  	v0 =	vld.idx.msk [tilespmem:v2+s6+$0x0], $0xffff;
	[tilespmem:s2+$0x30] =	vst v6  }
0xe0: {  	s7 =	sadd.s32 $0x80, s7;
	v2 =	vld.idx.msk [tilespmem:v7+s6+$0x0], $0xffff;
	[tilespmem:s2+$0xFFFFFFD0] =	vst v8  }
0xe1: {  	[tilespmem:s2+$0xFFFFFFE0] =	vst v5;
	s30 =	sadd.s32 $0x1, s30  }
0xe2: {  	[tilespmem:s2+$0xFFFFFFF0] =	vst v4;
	p1 =	sne.s32 s30, $0x6  }
.Ltmp7:
0xe3: {  	s0 =	sshll.u32 s0, $0x12;
	[tilespmem:s2+$0x0] =	vst v3;
	(pc) =	sbr.rel @p1 .LBB2_3-.Ltmp7, $4  }
0xe4: {  	s0 =	sadd.s32 s29, s0;
	[tilespmem:s2+$0x10] =	vst v1  }
0xe5: {  	s0 =	sshrl.u32 s0, $0x3;
	[tilespmem:s2+$0x20] =	vst v0  }
0xe6: {  	s0 =	sadd.s32 s3, s0;
	[tilespmem:s2+$0xFFFFFFC0] =	vst v2  }
0xe7: {  	[hbm4b:s0+s12] =	stream.strided.scatter [tilespmem:s23], [sflag:$0x6], $0x1000, s13, s12, $0x38;
	[tilespmem:$0x1FF00] =	vst v63  }
0xe8: {  	_ =	swait.ge [sflag:s16], $0x1000  }
0xe9: {  	[sflag:s16] =	ssyncset.done $0x0  }
0xea: {  	[sflag:s16] =	ssyncadd.s32 $0xFFFFF000  }
0xeb: {  	[tilespmem:s17], [sflag:$0x2] =	stream.strided.gather [hbm4b:s10+s12], $0x1000, s13, s12, $0x38;
	[tilespmem:$0x1FF00] =	vst v63  }
0xec: {  	_ =	swait.ge [sflag:s24], $0x1000  }
0xed: {  	[sflag:s24] =	ssyncset.done $0x0  }
0xee: {  	s0 =	simm.s32 $0x18740;
	[sflag:s24] =	ssyncadd.s32 $0xFFFFF000  }
0xef: {  	v0 =	vld [tilespmem:s0+$0x30]  }
0xf0: {  	v1 =	vld [tilespmem:s0+$0xFFFFFFD0]  }
0xf1: {  	v2 =	vld [tilespmem:s0+$0xFFFFFFE0]  }
0xf2: {  	v3 =	vld [tilespmem:s0+$0xFFFFFFF0]  }
0xf3: {  	v6 =	vld [tilespmem:s0+$0x0]  }
0xf4: {  	v7 =	vld [tilespmem:s0+$0x10]  }
0xf5: {  	v8 =	vld [tilespmem:s0+$0x20]  }
0xf6: {  	v9 =	vld [tilespmem:s0+$0xFFFFFFC0]  }
0xf7: {  	v10 =	vld.idx.msk [tilespmem:v0+s6+$0x0], $0xffff  }
0xf8: {  	v11 =	vld.idx.msk [tilespmem:v1+s6+$0x0], $0xffff  }
0xf9: {  	v5 =	vld.idx.msk [tilespmem:v2+s6+$0x0], $0xffff  }
0xfa: {  	v4 =	vld.idx.msk [tilespmem:v3+s6+$0x0], $0xffff  }
0xfb: {  	v1 =	vld.idx.msk [tilespmem:v6+s6+$0x0], $0xffff  }
0xfc: {  	s2 =	simm.s32 $0x1A740;
	v2 =	vld.idx.msk [tilespmem:v7+s6+$0x0], $0xffff  }
0xfd: {  	v0 =	vld.idx.msk [tilespmem:v8+s6+$0x0], $0xffff;
	[tilespmem:s2+$0x30] =	vst v10  }
0xfe: {  	s1 =	simm.s32 $0x187C0;
	s0 =	simm.s32 $0x0;
	v3 =	vld.idx.msk [tilespmem:v9+s6+$0x0], $0xffff;
	[tilespmem:s2+$0xFFFFFFD0] =	vst v11  }
.LBB2_17:
0xff: {  	v6 =	vld [tilespmem:s1+$0x30];
	s0 =	sadd.s32 $0x8, s0;
	[tilespmem:s2+$0xFFFFFFE0] =	vst v5  }
0x100: {  	v5 =	vld [tilespmem:s1+$0xFFFFFFD0];
	p1 =	slt.u32 s0, $0xF8;
	[tilespmem:s2+$0xFFFFFFF0] =	vst v4  }
0x101: {  	v4 =	vld [tilespmem:s1+$0xFFFFFFE0];
	[tilespmem:s2+$0x0] =	vst v1  }
0x102: {  	v1 =	vld [tilespmem:s1+$0xFFFFFFF0];
	[tilespmem:s2+$0x10] =	vst v2  }
0x103: {  	v2 =	vld [tilespmem:s1+$0x0];
	[tilespmem:s2+$0x20] =	vst v0  }
0x104: {  	v0 =	vld [tilespmem:s1+$0x10];
	[tilespmem:s2+$0xFFFFFFC0] =	vst v3  }
0x105: {  	v3 =	vld [tilespmem:s1+$0x20]  }
0x106: {  	v7 =	vld [tilespmem:s1+$0xFFFFFFC0]  }
0x107: {  	v6 =	vld.idx.msk [tilespmem:v6+s6+$0x0], $0xffff  }
0x108: {  	v8 =	vld.idx.msk [tilespmem:v5+s6+$0x0], $0xffff  }
0x109: {  	v5 =	vld.idx.msk [tilespmem:v4+s6+$0x0], $0xffff  }
.Ltmp8:
0x10a: {  	v4 =	vld.idx.msk [tilespmem:v1+s6+$0x0], $0xffff;
	(pc) =	sbr.rel @p1 .LBB2_17-.Ltmp8, $4  }
0x10b: {  	v1 =	vld.idx.msk [tilespmem:v2+s6+$0x0], $0xffff  }
0x10c: {  	s2 =	sadd.s32 $0x80, s2;
	v2 =	vld.idx.msk [tilespmem:v0+s6+$0x0], $0xffff  }
0x10d: {  	v0 =	vld.idx.msk [tilespmem:v3+s6+$0x0], $0xffff;
	[tilespmem:s2+$0x30] =	vst v6  }
0x10e: {  	s1 =	sadd.s32 $0x80, s1;
	v3 =	vld.idx.msk [tilespmem:v7+s6+$0x0], $0xffff;
	[tilespmem:s2+$0xFFFFFFD0] =	vst v8  }
0x10f: {  	[tilespmem:s2+$0xFFFFFFE0] =	vst v5  }
0x110: {  	[tilespmem:s2+$0xFFFFFFF0] =	vst v4  }
0x111: {  	[tilespmem:s2+$0x0] =	vst v1  }
0x112: {  	s0 =	sshrl.u32 s29, $0x3;
	[tilespmem:s2+$0x10] =	vst v2  }
0x113: {  	s1 =	sor.u32 $0xC0000, s0;
	[tilespmem:s2+$0x20] =	vst v0  }
0x114: {  	s1 =	sadd.s32 s3, s1;
	[tilespmem:s2+$0xFFFFFFC0] =	vst v3  }
0x115: {  	[hbm4b:s1+s12] =	stream.strided.scatter [tilespmem:s18], [sflag:$0x3], $0x1000, s13, s12, $0x38;
	[tilespmem:$0x1FF00] =	vst v63  }
0x116: {  	_ =	swait.ge [sflag:s19], $0x1000  }
0x117: {  	[sflag:s19] =	ssyncset.done $0x0  }
0x118: {  	[sflag:s19] =	ssyncadd.s32 $0xFFFFF000  }
0x119: {  	_ =	swait.ge [sflag:s25], $0x1000  }
0x11a: {  	[sflag:s25] =	ssyncset.done $0x0  }
0x11b: {  	s31 =	simm.s32 $0x19740;
	[sflag:s25] =	ssyncadd.s32 $0xFFFFF000  }
0x11c: {  	v0 =	vld [tilespmem:s31+$0x30]  }
0x11d: {  	v1 =	vld [tilespmem:s31+$0xFFFFFFD0]  }
0x11e: {  	v2 =	vld [tilespmem:s31+$0xFFFFFFE0]  }
0x11f: {  	v3 =	vld [tilespmem:s31+$0xFFFFFFF0]  }
0x120: {  	v4 =	vld [tilespmem:s31+$0x0]  }
0x121: {  	v6 =	vld [tilespmem:s31+$0x10]  }
0x122: {  	v7 =	vld [tilespmem:s31+$0x20]  }
0x123: {  	v8 =	vld [tilespmem:s31+$0xFFFFFFC0]  }
0x124: {  	v9 =	vld.idx.msk [tilespmem:v0+s6+$0x0], $0xffff  }
0x125: {  	v10 =	vld.idx.msk [tilespmem:v1+s6+$0x0], $0xffff  }
0x126: {  	v5 =	vld.idx.msk [tilespmem:v2+s6+$0x0], $0xffff  }
0x127: {  	v3 =	vld.idx.msk [tilespmem:v3+s6+$0x0], $0xffff  }
0x128: {  	v0 =	vld.idx.msk [tilespmem:v4+s6+$0x0], $0xffff  }
0x129: {  	s2 =	simm.s32 $0x1B740;
	v1 =	vld.idx.msk [tilespmem:v6+s6+$0x0], $0xffff  }
0x12a: {  	v2 =	vld.idx.msk [tilespmem:v7+s6+$0x0], $0xffff;
	[tilespmem:s2+$0x30] =	vst v9  }
0x12b: {  	s7 =	simm.s32 $0x197C0;
	s1 =	simm.s32 $0x0;
	v4 =	vld.idx.msk [tilespmem:v8+s6+$0x0], $0xffff;
	[tilespmem:s2+$0xFFFFFFD0] =	vst v10  }
.LBB2_19:
0x12c: {  	v6 =	vld [tilespmem:s7+$0x30];
	s1 =	sadd.s32 $0x8, s1;
	[tilespmem:s2+$0xFFFFFFE0] =	vst v5  }
0x12d: {  	v5 =	vld [tilespmem:s7+$0xFFFFFFD0];
	p1 =	slt.u32 s1, $0xF8;
	[tilespmem:s2+$0xFFFFFFF0] =	vst v3  }
0x12e: {  	v3 =	vld [tilespmem:s7+$0xFFFFFFE0];
	[tilespmem:s2+$0x0] =	vst v0  }
0x12f: {  	v0 =	vld [tilespmem:s7+$0xFFFFFFF0];
	[tilespmem:s2+$0x10] =	vst v1  }
0x130: {  	v1 =	vld [tilespmem:s7+$0x0];
	[tilespmem:s2+$0x20] =	vst v2  }
0x131: {  	v2 =	vld [tilespmem:s7+$0x10];
	[tilespmem:s2+$0xFFFFFFC0] =	vst v4  }
0x132: {  	v4 =	vld [tilespmem:s7+$0x20]  }
0x133: {  	v7 =	vld [tilespmem:s7+$0xFFFFFFC0]  }
0x134: {  	v6 =	vld.idx.msk [tilespmem:v6+s6+$0x0], $0xffff  }
0x135: {  	v8 =	vld.idx.msk [tilespmem:v5+s6+$0x0], $0xffff  }
0x136: {  	v5 =	vld.idx.msk [tilespmem:v3+s6+$0x0], $0xffff  }
.Ltmp9:
0x137: {  	v3 =	vld.idx.msk [tilespmem:v0+s6+$0x0], $0xffff;
	(pc) =	sbr.rel @p1 .LBB2_19-.Ltmp9, $4  }
0x138: {  	v0 =	vld.idx.msk [tilespmem:v1+s6+$0x0], $0xffff  }
0x139: {  	s2 =	sadd.s32 $0x80, s2;
	v1 =	vld.idx.msk [tilespmem:v2+s6+$0x0], $0xffff  }
0x13a: {  	v2 =	vld.idx.msk [tilespmem:v4+s6+$0x0], $0xffff;
	[tilespmem:s2+$0x30] =	vst v6  }
0x13b: {  	s7 =	sadd.s32 $0x80, s7;
	v4 =	vld.idx.msk [tilespmem:v7+s6+$0x0], $0xffff;
	[tilespmem:s2+$0xFFFFFFD0] =	vst v8  }
0x13c: {  	[tilespmem:s2+$0xFFFFFFE0] =	vst v5  }
0x13d: {  	[tilespmem:s2+$0xFFFFFFF0] =	vst v3  }
0x13e: {  	[tilespmem:s2+$0x0] =	vst v0  }
0x13f: {  	[tilespmem:s2+$0x10] =	vst v1  }
0x140: {  	s0 =	sor.u32 $0xC8000, s0;
	[tilespmem:s2+$0x20] =	vst v2  }
0x141: {  	s0 =	sadd.s32 s3, s0;
	[tilespmem:s2+$0xFFFFFFC0] =	vst v4  }
0x142: {  	[hbm4b:s0+s12] =	stream.strided.scatter [tilespmem:s20], [sflag:$0x4], $0x1000, s13, s12, $0x38;
	[tilespmem:$0x1FF00] =	vst v63  }
0x143: {  	_ =	swait.ge [sflag:s26], $0x1000  }
0x144: {  	[sflag:s26] =	ssyncset.done $0x0  }
0x145: {  	[sflag:s26] =	ssyncadd.s32 $0xFFFFF000  }
0x146: {  	_ =	swait.ge [sflag:s22], $0x1000  }
0x147: {  	[sflag:s22] =	ssyncset.done $0x0  }
0x148: {  	[sflag:s22] =	ssyncadd.s32 $0xFFFFF000  }
0x149: {  	_ =	swait.ge [sflag:s24], $0x1000  }
.Ltmp10:
0x14a: {  	[sflag:s24] =	ssyncset.done $0x0;
	(pc) =	sbr.rel @p0 .LBB2_2-.Ltmp10, $4  }
0x14b: {  	[sflag:s24] =	ssyncadd.s32 $0xFFFFF000  }
0x14c: {  	_ =	swait.ge [sflag:s25], $0x1000  }
0x14d: {  	[sflag:s25] =	ssyncset.done $0x0  }
0x14e: {  	p1 =	por $0x0, $0x0;
	s0 =	simm.s32 $0x1;
	[sflag:s25] =	ssyncadd.s32 $0xFFFFF000  }
0x14f: {  	s1 =	rddreg [dreg:$0x7]  }
0x150: {  	s0 =	rddreg [dreg:$0x6];
	s1 =	sadd.s32 $0x1, s1  }
0x151: {  	p0 =	sne.s32 s1, s0  }
.Ltmp11:
0x152: {  	_ = 	snop;
	(pc) =	sbr.rel @p0 .LBB2_1-.Ltmp11, $1  }
0x153: {  	_ =	sdelay $0x3  }
0x154: {  	_ =	sfence.sel $0x180000  }
0x155: {  	[bflag:$0x0] =	sbarrier.arrive $0xFFFF  }
0x156: {  	_ =	strace $0x90000047  }
0x157: {  	[bflag:$0x2] =	sbarrier.arrive $0xFFFF  }
0x158: {  	p0 =	sne.s32 s4, $0x0;
	s0 =	rddreg [dreg:$0x4]  }
0x159: {  	s0 =	sadd.s32 @!p0 $0x100000, s0  }
0x15a: {  	[sflag:s0] =	ssyncadd.tile.s32 @!p0 $0x1;
	_ =	shalt  }
.Lfunc_end2:
_tile_overlayer_lowered:
.L_overlay_start_2:
0x15b: {  	(tag) =	ssettag $0x2  }
0x15c: {  	s0 =	rddreg [dreg:$0x0];
	s2 =	stileid.u32  }
0x15d: {  	s1 =	rddreg [dreg:$0x1];
	p0 =	sne.s32 s2, $0x0  }
0x15e: {  	s3 =	rddreg [dreg:$0x2];
	[bflag:$0x3] =	sbarrier.arrive $0xFFFF;
	s2 =	simm.s32 @!p0 $0x1C08  }
0x15f: {  	[timem:s3], [sflag:s2] =	dma.local @!p0 [hbm:s0], s1  }
0x160: {  	s0 =	simm.s32 @!p0 $0x8  }
0x161: {  	_ =	swait.ge @!p0 [sflag:s0], s1  }
0x162: {  	s1 =	ssub.s32 @!p0 $0x0, s1;
	[sflag:s0] =	ssyncset.done @!p0 $0x0  }
0x163: {  	[sflag:s0] =	ssyncadd.s32 @!p0 s1  }
0x164: {  	[bflag:$0x3] =	sbarrier.arrive $0xFFFF  }
0x165: {  	_ =	shalt  }

</sc_bundles>
